<compile_context>
chip_gen: v7x
topology: tpu7x:2x2x1
jax: 0.10.2.dev20260603
libtpu: 0.0.44.dev20260713+nightly
codegen_flags: <defaults>
</compile_context>

<pallas_src>
import functools

import jax
import jax.numpy as jnp
from jax import lax
from jax.experimental import pallas as pl
from jax.experimental.pallas import tpu as pltpu
from jax.experimental.pallas import tpu_sc as plsc

B, N = 64, 8192
NC, NS, L = 2, 16, 16
NW = NC * NS
RPW = 8
CPW = N // 4
HALF = CPW // 2

_C = (-2.624818722280935, 6.99645580242014, -9.68325025287775,
      8.83846588959737, -4.490120647197039, 0.9632840003744435)


def _logpoly(x):
    acc = jnp.full((L,), jnp.float32(_C[5]), jnp.float32)
    for k in (4, 3, 2, 1, 0):
        acc = acc * x + jnp.float32(_C[k])
    return acc


_mesh = plsc.VectorSubcoreMesh(core_axis_name="c", subcore_axis_name="s")


@functools.partial(
    pl.kernel,
    mesh=_mesh,
    out_type=[jax.ShapeDtypeStruct((B,), jnp.float32)],
    scratch_types=[
        pltpu.VMEM((RPW, CPW), jnp.float32),
        pltpu.VMEM((L,), jnp.float32),
        pltpu.VMEM((4, L), jnp.float32),
        pltpu.VMEM_SHARED((NS + 16, L), jnp.float32),
        pltpu.SemaphoreType.DMA,
        pltpu.SemaphoreType.DMA,
    ],
    compiler_params=pltpu.CompilerParams(
        needs_layout_passes=False, use_tc_tiling_on_sc=True),
)
def _sc_loglik(gates_hbm, ll_hbm, gbuf, llbuf, tbuf, shared, sem0, sem1):
    c = lax.axis_index("c")
    s = lax.axis_index("s")
    q = c * 4 + s // 4
    p = s % 4
    row0 = q * RPW
    col0 = p * CPW
    copies = [
        pltpu.async_copy(
            gates_hbm.at[pl.ds(row0, RPW), pl.ds(col0 + h * HALF, HALF)],
            gbuf.at[:, pl.ds(h * HALF, HALF)],
            sem,
        )
        for h, sem in ((0, sem0), (1, sem1))
    ]

    lane = lax.iota(jnp.int32, L)
    zero = jnp.zeros((L,), jnp.float32)
    row_accs = (zero,) * RPW
    for h in range(2):
        copies[h].wait()

        def body(g, accs, h=h):
            col = h * HALF + g * L
            new = []
            for r in range(RPW):
                x = gbuf[r, pl.ds(col, L)]
                m = x > jnp.float32(0.5)
                new.append(accs[r] + jnp.where(m, _logpoly(x), zero))
            return tuple(new)

        row_accs = lax.fori_loop(0, HALF // L, body, row_accs, unroll=2)

    out = zero
    for r in range(RPW):
        out = jnp.where(lane == r, jnp.sum(row_accs[r]), out)
    llbuf[...] = out

    pltpu.sync_copy(llbuf, shared.at[s + 16])
    plsc.subcore_barrier()

    @pl.when(p == 0)
    def _():
        pltpu.sync_copy(shared.at[pl.ds(s + 16, 4)], tbuf)
        tot = (tbuf[0, ...] + tbuf[1, ...]) + (tbuf[2, ...] + tbuf[3, ...])
        llbuf[...] = tot
        pltpu.sync_copy(llbuf.at[pl.ds(0, RPW)], ll_hbm.at[pl.ds(row0, RPW)])


def _tc_mask_body(x_ref, o_ref):
    o_ref[...] = (x_ref[...] > jnp.float32(0.5)).astype(jnp.int8)


_tc_mask = pl.pallas_call(
    _tc_mask_body,
    grid=(4,),
    in_specs=[pl.BlockSpec((B, N // 4), lambda i: (0, i))],
    out_specs=pl.BlockSpec((B, N // 4), lambda i: (0, i)),
    out_shape=jax.ShapeDtypeStruct((B, N), jnp.int8),
)


def kernel(gates):
    samples = _tc_mask(gates).astype(jnp.bool_)
    (loglikelihood,) = _sc_loglik(gates)
    return samples, loglikelihood

# --- scband reference (transcript-rebuilt; emitter-appended) ---
"""Pipeline reference for scband-node-filter-base-31361851195993 (READ-ONLY COPY).

The authoritative reference and input builder live on the scoring server;
editing this copy changes nothing except your own understanding.
"""

import jax, jax.numpy as jnp
import numpy as np


def setup_inputs(seed: int = 0) -> dict:
    key = jax.random.key(seed)
    gates = jax.random.uniform(key, (64, 8192), dtype=jnp.float32)
    return {"gates": gates}


def reference(gates):
    # Faithful JAX translation of NodeFilterBase.argmax (the deterministic
    # decision path; .sample() is the stochastic Bernoulli variant of the
    # same computation). The original loops over a list of per-sequence gate
    # tensors; here the list is a batched [B, N] array.
    #   sample_i = gate_i > 0.5                        (boolean keep mask)
    #   ll_i     = log(gate_i + 1e-9)[sample_i].sum()  (masked log-likelihood)
    # torch.stack(loglikelihood) -> shape [B]
    samples = gates > 0.5
    logp = jnp.log(gates + 1e-9)
    loglikelihood = jnp.where(samples, logp, 0.0).sum(axis=1)
    return (samples, loglikelihood)

if __name__ == "__main__":
    import jax
    _d = setup_inputs()
    print(jax.jit(kernel)(*tuple(_d.values())))

</pallas_src>

<mosaic_0001>
#map = affine_map<(d0, d1) -> (0, 0)>
#map1 = affine_map<(d0, d1) -> (0)>
module attributes {stable_mosaic.version = 14 : i64} {
  func.func @_sc_loglik(%arg0: i32, %arg1: i32, %arg2: memref<64x8192xf32, #tpu.memory_space<hbm>>, %arg3: memref<64xf32, #tpu.memory_space<hbm>>, %arg4: memref<8x2048xf32, #tpu.memory_space<vmem>>, %arg5: memref<16xf32, #tpu.memory_space<vmem>>, %arg6: memref<4x16xf32, #tpu.memory_space<vmem>>, %arg7: memref<32x16xf32, #tpu.memory_space<vmem_shared>>, %arg8: memref<!tpu.dma_semaphore, #tpu.memory_space<semaphore_mem>>, %arg9: memref<!tpu.dma_semaphore, #tpu.memory_space<semaphore_mem>>) attributes {dimension_semantics = [#tpu.dimension_semantics<core_parallel>, #tpu.dimension_semantics<subcore_parallel>], iteration_bounds = array<i64: 2, 16>, scalar_prefetch = 0 : i64, scratch_operands = 6 : i64, tpu.core_type = #tpu.core_type<sc_vector_subcore>, window_params = [{transform_indices = #map}, {transform_indices = #map1}]} {
    %mul3A = arith.constant 4 : i32
    %mul3A_0 = arith.muli %arg0, %mul3A : i32
    %jit3A = arith.constant 4 : i32
    %div3A = arith.divsi %arg1, %jit3A : i32
    %sign3A = arith.constant 0 : i32
    %sign3A_1 = arith.cmpi sgt, %arg1, %sign3A : i32
    %sign3A_2 = arith.extui %sign3A_1 : i1 to i32
    %sign3A_3 = arith.constant 0 : i32
    %sign3A_4 = arith.cmpi slt, %arg1, %sign3A_3 : i32
    %sign3A_5 = arith.extui %sign3A_4 : i1 to i32
    %sign3A_6 = arith.subi %sign3A_2, %sign3A_5 : i32
    %sign3A_7 = arith.constant 0 : i32
    %sign3A_8 = arith.cmpi sgt, %jit3A, %sign3A_7 : i32
    %sign3A_9 = arith.extui %sign3A_8 : i1 to i32
    %sign3A_10 = arith.constant 0 : i32
    %sign3A_11 = arith.cmpi slt, %jit3A, %sign3A_10 : i32
    %sign3A_12 = arith.extui %sign3A_11 : i1 to i32
    %sign3A_13 = arith.subi %sign3A_9, %sign3A_12 : i32
    %ne3A = arith.cmpi ne, %sign3A_6, %sign3A_13 : i32
    %rem3A = arith.remsi %arg1, %jit3A : i32
    %ne3A_14 = arith.constant 0 : i32
    %ne3A_15 = arith.cmpi ne, %rem3A, %ne3A_14 : i32
    %and3A = arith.andi %ne3A, %ne3A_15 : i1
    %sub3A = arith.constant 1 : i32
    %sub3A_16 = arith.subi %div3A, %sub3A : i32
    %select_n3A = arith.select %and3A, %sub3A_16, %div3A : i32
    %add3A = arith.addi %mul3A_0, %select_n3A : i32
    %jit3A_17 = arith.constant 4 : i32
    %eq3A = arith.constant 0 : i32
    %eq3A_18 = arith.cmpi eq, %jit3A_17, %eq3A : i32
    %jit3A_19 = arith.constant 1 : i32
    %select_n3A_20 = arith.select %eq3A_18, %jit3A_19, %jit3A_17 : i32
    %rem3A_21 = arith.remsi %arg1, %select_n3A_20 : i32
    %ne3A_22 = arith.constant 0 : i32
    %ne3A_23 = arith.cmpi ne, %rem3A_21, %ne3A_22 : i32
    %lt3A = arith.constant 0 : i32
    %lt3A_24 = arith.cmpi slt, %rem3A_21, %lt3A : i32
    %lt3A_25 = arith.constant 0 : i32
    %lt3A_26 = arith.cmpi slt, %select_n3A_20, %lt3A_25 : i32
    %ne3A_27 = arith.xori %lt3A_24, %lt3A_26 : i1
    %and3A_28 = arith.andi %ne3A_27, %ne3A_23 : i1
    %add3A_29 = arith.addi %rem3A_21, %select_n3A_20 : i32
    %select_n3A_30 = arith.select %and3A_28, %add3A_29, %rem3A_21 : i32
    %mul3A_31 = arith.constant 8 : i32
    %mul3A_32 = arith.muli %add3A, %mul3A_31 : i32
    %mul3A_33 = arith.constant 2048 : i32
    %mul3A_34 = arith.muli %select_n3A_30, %mul3A_33 : i32
    %add3A_35 = arith.constant 0 : i32
    %add3A_36 = arith.addi %mul3A_34, %add3A_35 : i32
    %dma_start3A = arith.constant 0 : i32
    %dma_start3A_37 = arith.constant 0 : i32
    %dma_start3A_38 = tpu.memref_slice %arg4[%dma_start3A, %dma_start3A_37] : memref<8x2048xf32, #tpu.memory_space<vmem>> -> memref<8x1024xf32, #tpu.memory_space<vmem>>
    %dma_start3A_39 = tpu.memref_slice %arg2[%mul3A_32, %add3A_36] : memref<64x8192xf32, #tpu.memory_space<hbm>> -> memref<8x1024xf32, #tpu.memory_space<hbm>>
    %dma_start3A_40 = arith.constant 0 : i32
    %dma_start3A_41 = arith.constant 0 : i32
    %dma_start3A_42 = tpu.memref_slice %arg4[%dma_start3A_40, %dma_start3A_41] : memref<8x2048xf32, #tpu.memory_space<vmem>> -> memref<8x1024xf32, #tpu.memory_space<vmem>>
    %dma_start3A_43 = tpu.memref_slice %arg2[%mul3A_32, %add3A_36] : memref<64x8192xf32, #tpu.memory_space<hbm>> -> memref<8x1024xf32, #tpu.memory_space<hbm>>
    tpu.enqueue_dma source(%dma_start3A_43 : memref<8x1024xf32, #tpu.memory_space<hbm>>) target(%dma_start3A_42 : memref<8x1024xf32, #tpu.memory_space<vmem>>) target_semaphore(%arg8 : memref<!tpu.dma_semaphore, #tpu.memory_space<semaphore_mem>>)
    %add3A_44 = arith.constant 1024 : i32
    %add3A_45 = arith.addi %mul3A_34, %add3A_44 : i32
    %dma_start3A_46 = arith.constant 0 : i32
    %dma_start3A_47 = arith.constant 1024 : i32
    %dma_start3A_48 = tpu.memref_slice %arg4[%dma_start3A_46, %dma_start3A_47] : memref<8x2048xf32, #tpu.memory_space<vmem>> -> memref<8x1024xf32, #tpu.memory_space<vmem>>
    %dma_start3A_49 = tpu.memref_slice %arg2[%mul3A_32, %add3A_45] : memref<64x8192xf32, #tpu.memory_space<hbm>> -> memref<8x1024xf32, #tpu.memory_space<hbm>>
    %dma_start3A_50 = arith.constant 0 : i32
    %dma_start3A_51 = arith.constant 1024 : i32
    %dma_start3A_52 = tpu.memref_slice %arg4[%dma_start3A_50, %dma_start3A_51] : memref<8x2048xf32, #tpu.memory_space<vmem>> -> memref<8x1024xf32, #tpu.memory_space<vmem>>
    %dma_start3A_53 = tpu.memref_slice %arg2[%mul3A_32, %add3A_45] : memref<64x8192xf32, #tpu.memory_space<hbm>> -> memref<8x1024xf32, #tpu.memory_space<hbm>>
    tpu.enqueue_dma source(%dma_start3A_53 : memref<8x1024xf32, #tpu.memory_space<hbm>>) target(%dma_start3A_52 : memref<8x1024xf32, #tpu.memory_space<vmem>>) target_semaphore(%arg9 : memref<!tpu.dma_semaphore, #tpu.memory_space<semaphore_mem>>)
    %iota3A = tpu.iota {dimensions = array<i32: 0>} : vector<16xi32>
    %broadcast_in_dim3A = arith.constant 0.000000e+00 : f32
    %broadcast_in_dim3A_54 = vector.broadcast %broadcast_in_dim3A : f32 to vector<16xf32>
    %dma_wait3A = arith.constant 0 : i32
    %dma_wait3A_55 = arith.constant 0 : i32
    %dma_wait3A_56 = tpu.memref_slice %arg4[%dma_wait3A, %dma_wait3A_55] : memref<8x2048xf32, #tpu.memory_space<vmem>> -> memref<8x1024xf32, #tpu.memory_space<vmem>>
    %dma_wait3A_57 = tpu.memref_slice %arg2[%mul3A_32, %add3A_36] : memref<64x8192xf32, #tpu.memory_space<hbm>> -> memref<8x1024xf32, #tpu.memory_space<hbm>>
    %dma_wait3A_58 = arith.constant 0 : i32
    %dma_wait3A_59 = arith.constant 0 : i32
    %dma_wait3A_60 = tpu.memref_slice %arg4[%dma_wait3A_58, %dma_wait3A_59] : memref<8x2048xf32, #tpu.memory_space<vmem>> -> memref<8x1024xf32, #tpu.memory_space<vmem>>
    %dma_wait3A_61 = tpu.memref_slice %arg2[%mul3A_32, %add3A_36] : memref<64x8192xf32, #tpu.memory_space<hbm>> -> memref<8x1024xf32, #tpu.memory_space<hbm>>
    tpu.wait_dma2 semaphore(%arg8 : memref<!tpu.dma_semaphore, #tpu.memory_space<semaphore_mem>>) src(%dma_wait3A_61 : memref<8x1024xf32, #tpu.memory_space<hbm>>) dst(%dma_wait3A_60 : memref<8x1024xf32, #tpu.memory_space<vmem>>)
    %scan3A = arith.constant 0 : i32
    %scan3A_62 = arith.constant 64 : i32
    %scan3A_63 = arith.addi %scan3A, %scan3A_62 : i32
    %scan3A_64 = arith.constant 2 : i32
    %scan3A_65:8 = scf.for %scan3A_158 = %scan3A to %scan3A_63 step %scan3A_64 iter_args(%scan3A_159 = %broadcast_in_dim3A_54, %scan3A_160 = %broadcast_in_dim3A_54, %scan3A_161 = %broadcast_in_dim3A_54, %scan3A_162 = %broadcast_in_dim3A_54, %scan3A_163 = %broadcast_in_dim3A_54, %scan3A_164 = %broadcast_in_dim3A_54, %scan3A_165 = %broadcast_in_dim3A_54, %scan3A_166 = %broadcast_in_dim3A_54) -> (vector<16xf32>, vector<16xf32>, vector<16xf32>, vector<16xf32>, vector<16xf32>, vector<16xf32>, vector<16xf32>, vector<16xf32>)  : i32 {
      %mul3A_167 = arith.constant 16 : i32
      %mul3A_168 = arith.muli %scan3A_158, %mul3A_167 : i32
      %add3A_169 = arith.constant 0 : i32
      %add3A_170 = arith.addi %add3A_169, %mul3A_168 : i32
      %get3A = arith.constant 0 : i32
      %get3A_171 = arith.index_cast %get3A : i32 to index
      %get3A_172 = arith.index_cast %add3A_170 : i32 to index
      %get3A_173 = tpu.vector_load %arg4[%get3A_171, %get3A_172] {strides = array<i32>} : memref<8x2048xf32, #tpu.memory_space<vmem>>, vector<16xf32>,
      %gt3A = arith.constant 5.000000e-01 : f32
      %gt3A_174 = vector.broadcast %gt3A : f32 to vector<16xf32>
      %gt3A_175 = arith.cmpf ogt, %get3A_173, %gt3A_174 : vector<16xf32>
      %broadcast_in_dim3A_176 = arith.constant 9.632840e-01 : f32
      %broadcast_in_dim3A_177 = vector.broadcast %broadcast_in_dim3A_176 : f32 to vector<16xf32>
      %mul3A_178 = arith.mulf %broadcast_in_dim3A_177, %get3A_173 : vector<16xf32>
      %add3A_179 = arith.constant -4.49012041 : f32
      %add3A_180 = vector.broadcast %add3A_179 : f32 to vector<16xf32>
      %add3A_181 = arith.addf %mul3A_178, %add3A_180 : vector<16xf32>
      %mul3A_182 = arith.mulf %add3A_181, %get3A_173 : vector<16xf32>
      %add3A_183 = arith.constant 8.83846569 : f32
      %add3A_184 = vector.broadcast %add3A_183 : f32 to vector<16xf32>
      %add3A_185 = arith.addf %mul3A_182, %add3A_184 : vector<16xf32>
      %mul3A_186 = arith.mulf %add3A_185, %get3A_173 : vector<16xf32>
      %add3A_187 = arith.constant -9.683250e+00 : f32
      %add3A_188 = vector.broadcast %add3A_187 : f32 to vector<16xf32>
      %add3A_189 = arith.addf %mul3A_186, %add3A_188 : vector<16xf32>
      %mul3A_190 = arith.mulf %add3A_189, %get3A_173 : vector<16xf32>
      %add3A_191 = arith.constant 6.99645567 : f32
      %add3A_192 = vector.broadcast %add3A_191 : f32 to vector<16xf32>
      %add3A_193 = arith.addf %mul3A_190, %add3A_192 : vector<16xf32>
      %mul3A_194 = arith.mulf %add3A_193, %get3A_173 : vector<16xf32>
      %add3A_195 = arith.constant -2.6248188 : f32
      %add3A_196 = vector.broadcast %add3A_195 : f32 to vector<16xf32>
      %add3A_197 = arith.addf %mul3A_194, %add3A_196 : vector<16xf32>
      %select_n3A_198 = arith.select %gt3A_175, %add3A_197, %broadcast_in_dim3A_54 : vector<16xi1>, vector<16xf32>
      %add3A_199 = arith.addf %scan3A_159, %select_n3A_198 : vector<16xf32>
      %get3A_200 = arith.constant 1 : i32
      %get3A_201 = arith.index_cast %get3A_200 : i32 to index
      %get3A_202 = arith.index_cast %add3A_170 : i32 to index
      %get3A_203 = tpu.vector_load %arg4[%get3A_201, %get3A_202] {strides = array<i32>} : memref<8x2048xf32, #tpu.memory_space<vmem>>, vector<16xf32>,
      %gt3A_204 = arith.constant 5.000000e-01 : f32
      %gt3A_205 = vector.broadcast %gt3A_204 : f32 to vector<16xf32>
      %gt3A_206 = arith.cmpf ogt, %get3A_203, %gt3A_205 : vector<16xf32>
      %broadcast_in_dim3A_207 = arith.constant 9.632840e-01 : f32
      %broadcast_in_dim3A_208 = vector.broadcast %broadcast_in_dim3A_207 : f32 to vector<16xf32>
      %mul3A_209 = arith.mulf %broadcast_in_dim3A_208, %get3A_203 : vector<16xf32>
      %add3A_210 = arith.constant -4.49012041 : f32
      %add3A_211 = vector.broadcast %add3A_210 : f32 to vector<16xf32>
      %add3A_212 = arith.addf %mul3A_209, %add3A_211 : vector<16xf32>
      %mul3A_213 = arith.mulf %add3A_212, %get3A_203 : vector<16xf32>
      %add3A_214 = arith.constant 8.83846569 : f32
      %add3A_215 = vector.broadcast %add3A_214 : f32 to vector<16xf32>
      %add3A_216 = arith.addf %mul3A_213, %add3A_215 : vector<16xf32>
      %mul3A_217 = arith.mulf %add3A_216, %get3A_203 : vector<16xf32>
      %add3A_218 = arith.constant -9.683250e+00 : f32
      %add3A_219 = vector.broadcast %add3A_218 : f32 to vector<16xf32>
      %add3A_220 = arith.addf %mul3A_217, %add3A_219 : vector<16xf32>
      %mul3A_221 = arith.mulf %add3A_220, %get3A_203 : vector<16xf32>
      %add3A_222 = arith.constant 6.99645567 : f32
      %add3A_223 = vector.broadcast %add3A_222 : f32 to vector<16xf32>
      %add3A_224 = arith.addf %mul3A_221, %add3A_223 : vector<16xf32>
      %mul3A_225 = arith.mulf %add3A_224, %get3A_203 : vector<16xf32>
      %add3A_226 = arith.constant -2.6248188 : f32
      %add3A_227 = vector.broadcast %add3A_226 : f32 to vector<16xf32>
      %add3A_228 = arith.addf %mul3A_225, %add3A_227 : vector<16xf32>
      %select_n3A_229 = arith.select %gt3A_206, %add3A_228, %broadcast_in_dim3A_54 : vector<16xi1>, vector<16xf32>
      %add3A_230 = arith.addf %scan3A_160, %select_n3A_229 : vector<16xf32>
      %get3A_231 = arith.constant 2 : i32
      %get3A_232 = arith.index_cast %get3A_231 : i32 to index
      %get3A_233 = arith.index_cast %add3A_170 : i32 to index
      %get3A_234 = tpu.vector_load %arg4[%get3A_232, %get3A_233] {strides = array<i32>} : memref<8x2048xf32, #tpu.memory_space<vmem>>, vector<16xf32>,
      %gt3A_235 = arith.constant 5.000000e-01 : f32
      %gt3A_236 = vector.broadcast %gt3A_235 : f32 to vector<16xf32>
      %gt3A_237 = arith.cmpf ogt, %get3A_234, %gt3A_236 : vector<16xf32>
      %broadcast_in_dim3A_238 = arith.constant 9.632840e-01 : f32
      %broadcast_in_dim3A_239 = vector.broadcast %broadcast_in_dim3A_238 : f32 to vector<16xf32>
      %mul3A_240 = arith.mulf %broadcast_in_dim3A_239, %get3A_234 : vector<16xf32>
      %add3A_241 = arith.constant -4.49012041 : f32
      %add3A_242 = vector.broadcast %add3A_241 : f32 to vector<16xf32>
      %add3A_243 = arith.addf %mul3A_240, %add3A_242 : vector<16xf32>
      %mul3A_244 = arith.mulf %add3A_243, %get3A_234 : vector<16xf32>
      %add3A_245 = arith.constant 8.83846569 : f32
      %add3A_246 = vector.broadcast %add3A_245 : f32 to vector<16xf32>
      %add3A_247 = arith.addf %mul3A_244, %add3A_246 : vector<16xf32>
      %mul3A_248 = arith.mulf %add3A_247, %get3A_234 : vector<16xf32>
      %add3A_249 = arith.constant -9.683250e+00 : f32
      %add3A_250 = vector.broadcast %add3A_249 : f32 to vector<16xf32>
      %add3A_251 = arith.addf %mul3A_248, %add3A_250 : vector<16xf32>
      %mul3A_252 = arith.mulf %add3A_251, %get3A_234 : vector<16xf32>
      %add3A_253 = arith.constant 6.99645567 : f32
      %add3A_254 = vector.broadcast %add3A_253 : f32 to vector<16xf32>
      %add3A_255 = arith.addf %mul3A_252, %add3A_254 : vector<16xf32>
      %mul3A_256 = arith.mulf %add3A_255, %get3A_234 : vector<16xf32>
      %add3A_257 = arith.constant -2.6248188 : f32
      %add3A_258 = vector.broadcast %add3A_257 : f32 to vector<16xf32>
      %add3A_259 = arith.addf %mul3A_256, %add3A_258 : vector<16xf32>
      %select_n3A_260 = arith.select %gt3A_237, %add3A_259, %broadcast_in_dim3A_54 : vector<16xi1>, vector<16xf32>
      %add3A_261 = arith.addf %scan3A_161, %select_n3A_260 : vector<16xf32>
      %get3A_262 = arith.constant 3 : i32
      %get3A_263 = arith.index_cast %get3A_262 : i32 to index
      %get3A_264 = arith.index_cast %add3A_170 : i32 to index
      %get3A_265 = tpu.vector_load %arg4[%get3A_263, %get3A_264] {strides = array<i32>} : memref<8x2048xf32, #tpu.memory_space<vmem>>, vector<16xf32>,
      %gt3A_266 = arith.constant 5.000000e-01 : f32
      %gt3A_267 = vector.broadcast %gt3A_266 : f32 to vector<16xf32>
      %gt3A_268 = arith.cmpf ogt, %get3A_265, %gt3A_267 : vector<16xf32>
      %broadcast_in_dim3A_269 = arith.constant 9.632840e-01 : f32
      %broadcast_in_dim3A_270 = vector.broadcast %broadcast_in_dim3A_269 : f32 to vector<16xf32>
      %mul3A_271 = arith.mulf %broadcast_in_dim3A_270, %get3A_265 : vector<16xf32>
      %add3A_272 = arith.constant -4.49012041 : f32
      %add3A_273 = vector.broadcast %add3A_272 : f32 to vector<16xf32>
      %add3A_274 = arith.addf %mul3A_271, %add3A_273 : vector<16xf32>
      %mul3A_275 = arith.mulf %add3A_274, %get3A_265 : vector<16xf32>
      %add3A_276 = arith.constant 8.83846569 : f32
      %add3A_277 = vector.broadcast %add3A_276 : f32 to vector<16xf32>
      %add3A_278 = arith.addf %mul3A_275, %add3A_277 : vector<16xf32>
      %mul3A_279 = arith.mulf %add3A_278, %get3A_265 : vector<16xf32>
      %add3A_280 = arith.constant -9.683250e+00 : f32
      %add3A_281 = vector.broadcast %add3A_280 : f32 to vector<16xf32>
      %add3A_282 = arith.addf %mul3A_279, %add3A_281 : vector<16xf32>
      %mul3A_283 = arith.mulf %add3A_282, %get3A_265 : vector<16xf32>
      %add3A_284 = arith.constant 6.99645567 : f32
      %add3A_285 = vector.broadcast %add3A_284 : f32 to vector<16xf32>
      %add3A_286 = arith.addf %mul3A_283, %add3A_285 : vector<16xf32>
      %mul3A_287 = arith.mulf %add3A_286, %get3A_265 : vector<16xf32>
      %add3A_288 = arith.constant -2.6248188 : f32
      %add3A_289 = vector.broadcast %add3A_288 : f32 to vector<16xf32>
      %add3A_290 = arith.addf %mul3A_287, %add3A_289 : vector<16xf32>
      %select_n3A_291 = arith.select %gt3A_268, %add3A_290, %broadcast_in_dim3A_54 : vector<16xi1>, vector<16xf32>
      %add3A_292 = arith.addf %scan3A_162, %select_n3A_291 : vector<16xf32>
      %get3A_293 = arith.constant 4 : i32
      %get3A_294 = arith.index_cast %get3A_293 : i32 to index
      %get3A_295 = arith.index_cast %add3A_170 : i32 to index
      %get3A_296 = tpu.vector_load %arg4[%get3A_294, %get3A_295] {strides = array<i32>} : memref<8x2048xf32, #tpu.memory_space<vmem>>, vector<16xf32>,
      %gt3A_297 = arith.constant 5.000000e-01 : f32
      %gt3A_298 = vector.broadcast %gt3A_297 : f32 to vector<16xf32>
      %gt3A_299 = arith.cmpf ogt, %get3A_296, %gt3A_298 : vector<16xf32>
      %broadcast_in_dim3A_300 = arith.constant 9.632840e-01 : f32
      %broadcast_in_dim3A_301 = vector.broadcast %broadcast_in_dim3A_300 : f32 to vector<16xf32>
      %mul3A_302 = arith.mulf %broadcast_in_dim3A_301, %get3A_296 : vector<16xf32>
      %add3A_303 = arith.constant -4.49012041 : f32
      %add3A_304 = vector.broadcast %add3A_303 : f32 to vector<16xf32>
      %add3A_305 = arith.addf %mul3A_302, %add3A_304 : vector<16xf32>
      %mul3A_306 = arith.mulf %add3A_305, %get3A_296 : vector<16xf32>
      %add3A_307 = arith.constant 8.83846569 : f32
      %add3A_308 = vector.broadcast %add3A_307 : f32 to vector<16xf32>
      %add3A_309 = arith.addf %mul3A_306, %add3A_308 : vector<16xf32>
      %mul3A_310 = arith.mulf %add3A_309, %get3A_296 : vector<16xf32>
      %add3A_311 = arith.constant -9.683250e+00 : f32
      %add3A_312 = vector.broadcast %add3A_311 : f32 to vector<16xf32>
      %add3A_313 = arith.addf %mul3A_310, %add3A_312 : vector<16xf32>
      %mul3A_314 = arith.mulf %add3A_313, %get3A_296 : vector<16xf32>
      %add3A_315 = arith.constant 6.99645567 : f32
      %add3A_316 = vector.broadcast %add3A_315 : f32 to vector<16xf32>
      %add3A_317 = arith.addf %mul3A_314, %add3A_316 : vector<16xf32>
      %mul3A_318 = arith.mulf %add3A_317, %get3A_296 : vector<16xf32>
      %add3A_319 = arith.constant -2.6248188 : f32
      %add3A_320 = vector.broadcast %add3A_319 : f32 to vector<16xf32>
      %add3A_321 = arith.addf %mul3A_318, %add3A_320 : vector<16xf32>
      %select_n3A_322 = arith.select %gt3A_299, %add3A_321, %broadcast_in_dim3A_54 : vector<16xi1>, vector<16xf32>
      %add3A_323 = arith.addf %scan3A_163, %select_n3A_322 : vector<16xf32>
      %get3A_324 = arith.constant 5 : i32
      %get3A_325 = arith.index_cast %get3A_324 : i32 to index
      %get3A_326 = arith.index_cast %add3A_170 : i32 to index
      %get3A_327 = tpu.vector_load %arg4[%get3A_325, %get3A_326] {strides = array<i32>} : memref<8x2048xf32, #tpu.memory_space<vmem>>, vector<16xf32>,
      %gt3A_328 = arith.constant 5.000000e-01 : f32
      %gt3A_329 = vector.broadcast %gt3A_328 : f32 to vector<16xf32>
      %gt3A_330 = arith.cmpf ogt, %get3A_327, %gt3A_329 : vector<16xf32>
      %broadcast_in_dim3A_331 = arith.constant 9.632840e-01 : f32
      %broadcast_in_dim3A_332 = vector.broadcast %broadcast_in_dim3A_331 : f32 to vector<16xf32>
      %mul3A_333 = arith.mulf %broadcast_in_dim3A_332, %get3A_327 : vector<16xf32>
      %add3A_334 = arith.constant -4.49012041 : f32
      %add3A_335 = vector.broadcast %add3A_334 : f32 to vector<16xf32>
      %add3A_336 = arith.addf %mul3A_333, %add3A_335 : vector<16xf32>
      %mul3A_337 = arith.mulf %add3A_336, %get3A_327 : vector<16xf32>
      %add3A_338 = arith.constant 8.83846569 : f32
      %add3A_339 = vector.broadcast %add3A_338 : f32 to vector<16xf32>
      %add3A_340 = arith.addf %mul3A_337, %add3A_339 : vector<16xf32>
      %mul3A_341 = arith.mulf %add3A_340, %get3A_327 : vector<16xf32>
      %add3A_342 = arith.constant -9.683250e+00 : f32
      %add3A_343 = vector.broadcast %add3A_342 : f32 to vector<16xf32>
      %add3A_344 = arith.addf %mul3A_341, %add3A_343 : vector<16xf32>
      %mul3A_345 = arith.mulf %add3A_344, %get3A_327 : vector<16xf32>
      %add3A_346 = arith.constant 6.99645567 : f32
      %add3A_347 = vector.broadcast %add3A_346 : f32 to vector<16xf32>
      %add3A_348 = arith.addf %mul3A_345, %add3A_347 : vector<16xf32>
      %mul3A_349 = arith.mulf %add3A_348, %get3A_327 : vector<16xf32>
      %add3A_350 = arith.constant -2.6248188 : f32
      %add3A_351 = vector.broadcast %add3A_350 : f32 to vector<16xf32>
      %add3A_352 = arith.addf %mul3A_349, %add3A_351 : vector<16xf32>
      %select_n3A_353 = arith.select %gt3A_330, %add3A_352, %broadcast_in_dim3A_54 : vector<16xi1>, vector<16xf32>
      %add3A_354 = arith.addf %scan3A_164, %select_n3A_353 : vector<16xf32>
      %get3A_355 = arith.constant 6 : i32
      %get3A_356 = arith.index_cast %get3A_355 : i32 to index
      %get3A_357 = arith.index_cast %add3A_170 : i32 to index
      %get3A_358 = tpu.vector_load %arg4[%get3A_356, %get3A_357] {strides = array<i32>} : memref<8x2048xf32, #tpu.memory_space<vmem>>, vector<16xf32>,
      %gt3A_359 = arith.constant 5.000000e-01 : f32
      %gt3A_360 = vector.broadcast %gt3A_359 : f32 to vector<16xf32>
      %gt3A_361 = arith.cmpf ogt, %get3A_358, %gt3A_360 : vector<16xf32>
      %broadcast_in_dim3A_362 = arith.constant 9.632840e-01 : f32
      %broadcast_in_dim3A_363 = vector.broadcast %broadcast_in_dim3A_362 : f32 to vector<16xf32>
      %mul3A_364 = arith.mulf %broadcast_in_dim3A_363, %get3A_358 : vector<16xf32>
      %add3A_365 = arith.constant -4.49012041 : f32
      %add3A_366 = vector.broadcast %add3A_365 : f32 to vector<16xf32>
      %add3A_367 = arith.addf %mul3A_364, %add3A_366 : vector<16xf32>
      %mul3A_368 = arith.mulf %add3A_367, %get3A_358 : vector<16xf32>
      %add3A_369 = arith.constant 8.83846569 : f32
      %add3A_370 = vector.broadcast %add3A_369 : f32 to vector<16xf32>
      %add3A_371 = arith.addf %mul3A_368, %add3A_370 : vector<16xf32>
      %mul3A_372 = arith.mulf %add3A_371, %get3A_358 : vector<16xf32>
      %add3A_373 = arith.constant -9.683250e+00 : f32
      %add3A_374 = vector.broadcast %add3A_373 : f32 to vector<16xf32>
      %add3A_375 = arith.addf %mul3A_372, %add3A_374 : vector<16xf32>
      %mul3A_376 = arith.mulf %add3A_375, %get3A_358 : vector<16xf32>
      %add3A_377 = arith.constant 6.99645567 : f32
      %add3A_378 = vector.broadcast %add3A_377 : f32 to vector<16xf32>
      %add3A_379 = arith.addf %mul3A_376, %add3A_378 : vector<16xf32>
      %mul3A_380 = arith.mulf %add3A_379, %get3A_358 : vector<16xf32>
      %add3A_381 = arith.constant -2.6248188 : f32
      %add3A_382 = vector.broadcast %add3A_381 : f32 to vector<16xf32>
      %add3A_383 = arith.addf %mul3A_380, %add3A_382 : vector<16xf32>
      %select_n3A_384 = arith.select %gt3A_361, %add3A_383, %broadcast_in_dim3A_54 : vector<16xi1>, vector<16xf32>
      %add3A_385 = arith.addf %scan3A_165, %select_n3A_384 : vector<16xf32>
      %get3A_386 = arith.constant 7 : i32
      %get3A_387 = arith.index_cast %get3A_386 : i32 to index
      %get3A_388 = arith.index_cast %add3A_170 : i32 to index
      %get3A_389 = tpu.vector_load %arg4[%get3A_387, %get3A_388] {strides = array<i32>} : memref<8x2048xf32, #tpu.memory_space<vmem>>, vector<16xf32>,
      %gt3A_390 = arith.constant 5.000000e-01 : f32
      %gt3A_391 = vector.broadcast %gt3A_390 : f32 to vector<16xf32>
      %gt3A_392 = arith.cmpf ogt, %get3A_389, %gt3A_391 : vector<16xf32>
      %broadcast_in_dim3A_393 = arith.constant 9.632840e-01 : f32
      %broadcast_in_dim3A_394 = vector.broadcast %broadcast_in_dim3A_393 : f32 to vector<16xf32>
      %mul3A_395 = arith.mulf %broadcast_in_dim3A_394, %get3A_389 : vector<16xf32>
      %add3A_396 = arith.constant -4.49012041 : f32
      %add3A_397 = vector.broadcast %add3A_396 : f32 to vector<16xf32>
      %add3A_398 = arith.addf %mul3A_395, %add3A_397 : vector<16xf32>
      %mul3A_399 = arith.mulf %add3A_398, %get3A_389 : vector<16xf32>
      %add3A_400 = arith.constant 8.83846569 : f32
      %add3A_401 = vector.broadcast %add3A_400 : f32 to vector<16xf32>
      %add3A_402 = arith.addf %mul3A_399, %add3A_401 : vector<16xf32>
      %mul3A_403 = arith.mulf %add3A_402, %get3A_389 : vector<16xf32>
      %add3A_404 = arith.constant -9.683250e+00 : f32
      %add3A_405 = vector.broadcast %add3A_404 : f32 to vector<16xf32>
      %add3A_406 = arith.addf %mul3A_403, %add3A_405 : vector<16xf32>
      %mul3A_407 = arith.mulf %add3A_406, %get3A_389 : vector<16xf32>
      %add3A_408 = arith.constant 6.99645567 : f32
      %add3A_409 = vector.broadcast %add3A_408 : f32 to vector<16xf32>
      %add3A_410 = arith.addf %mul3A_407, %add3A_409 : vector<16xf32>
      %mul3A_411 = arith.mulf %add3A_410, %get3A_389 : vector<16xf32>
      %add3A_412 = arith.constant -2.6248188 : f32
      %add3A_413 = vector.broadcast %add3A_412 : f32 to vector<16xf32>
      %add3A_414 = arith.addf %mul3A_411, %add3A_413 : vector<16xf32>
      %select_n3A_415 = arith.select %gt3A_392, %add3A_414, %broadcast_in_dim3A_54 : vector<16xi1>, vector<16xf32>
      %add3A_416 = arith.addf %scan3A_166, %select_n3A_415 : vector<16xf32>
      %scan3A_417 = arith.constant 1 : i32
      %scan3A_418 = arith.addi %scan3A_158, %scan3A_417 : i32
      %mul3A_419 = arith.constant 16 : i32
      %mul3A_420 = arith.muli %scan3A_418, %mul3A_419 : i32
      %add3A_421 = arith.constant 0 : i32
      %add3A_422 = arith.addi %add3A_421, %mul3A_420 : i32
      %get3A_423 = arith.constant 0 : i32
      %get3A_424 = arith.index_cast %get3A_423 : i32 to index
      %get3A_425 = arith.index_cast %add3A_422 : i32 to index
      %get3A_426 = tpu.vector_load %arg4[%get3A_424, %get3A_425] {strides = array<i32>} : memref<8x2048xf32, #tpu.memory_space<vmem>>, vector<16xf32>,
      %gt3A_427 = arith.constant 5.000000e-01 : f32
      %gt3A_428 = vector.broadcast %gt3A_427 : f32 to vector<16xf32>
      %gt3A_429 = arith.cmpf ogt, %get3A_426, %gt3A_428 : vector<16xf32>
      %broadcast_in_dim3A_430 = arith.constant 9.632840e-01 : f32
      %broadcast_in_dim3A_431 = vector.broadcast %broadcast_in_dim3A_430 : f32 to vector<16xf32>
      %mul3A_432 = arith.mulf %broadcast_in_dim3A_431, %get3A_426 : vector<16xf32>
      %add3A_433 = arith.constant -4.49012041 : f32
      %add3A_434 = vector.broadcast %add3A_433 : f32 to vector<16xf32>
      %add3A_435 = arith.addf %mul3A_432, %add3A_434 : vector<16xf32>
      %mul3A_436 = arith.mulf %add3A_435, %get3A_426 : vector<16xf32>
      %add3A_437 = arith.constant 8.83846569 : f32
      %add3A_438 = vector.broadcast %add3A_437 : f32 to vector<16xf32>
      %add3A_439 = arith.addf %mul3A_436, %add3A_438 : vector<16xf32>
      %mul3A_440 = arith.mulf %add3A_439, %get3A_426 : vector<16xf32>
      %add3A_441 = arith.constant -9.683250e+00 : f32
      %add3A_442 = vector.broadcast %add3A_441 : f32 to vector<16xf32>
      %add3A_443 = arith.addf %mul3A_440, %add3A_442 : vector<16xf32>
      %mul3A_444 = arith.mulf %add3A_443, %get3A_426 : vector<16xf32>
      %add3A_445 = arith.constant 6.99645567 : f32
      %add3A_446 = vector.broadcast %add3A_445 : f32 to vector<16xf32>
      %add3A_447 = arith.addf %mul3A_444, %add3A_446 : vector<16xf32>
      %mul3A_448 = arith.mulf %add3A_447, %get3A_426 : vector<16xf32>
      %add3A_449 = arith.constant -2.6248188 : f32
      %add3A_450 = vector.broadcast %add3A_449 : f32 to vector<16xf32>
      %add3A_451 = arith.addf %mul3A_448, %add3A_450 : vector<16xf32>
      %select_n3A_452 = arith.select %gt3A_429, %add3A_451, %broadcast_in_dim3A_54 : vector<16xi1>, vector<16xf32>
      %add3A_453 = arith.addf %add3A_199, %select_n3A_452 : vector<16xf32>
      %get3A_454 = arith.constant 1 : i32
      %get3A_455 = arith.index_cast %get3A_454 : i32 to index
      %get3A_456 = arith.index_cast %add3A_422 : i32 to index
      %get3A_457 = tpu.vector_load %arg4[%get3A_455, %get3A_456] {strides = array<i32>} : memref<8x2048xf32, #tpu.memory_space<vmem>>, vector<16xf32>,
      %gt3A_458 = arith.constant 5.000000e-01 : f32
      %gt3A_459 = vector.broadcast %gt3A_458 : f32 to vector<16xf32>
      %gt3A_460 = arith.cmpf ogt, %get3A_457, %gt3A_459 : vector<16xf32>
      %broadcast_in_dim3A_461 = arith.constant 9.632840e-01 : f32
      %broadcast_in_dim3A_462 = vector.broadcast %broadcast_in_dim3A_461 : f32 to vector<16xf32>
      %mul3A_463 = arith.mulf %broadcast_in_dim3A_462, %get3A_457 : vector<16xf32>
      %add3A_464 = arith.constant -4.49012041 : f32
      %add3A_465 = vector.broadcast %add3A_464 : f32 to vector<16xf32>
      %add3A_466 = arith.addf %mul3A_463, %add3A_465 : vector<16xf32>
      %mul3A_467 = arith.mulf %add3A_466, %get3A_457 : vector<16xf32>
      %add3A_468 = arith.constant 8.83846569 : f32
      %add3A_469 = vector.broadcast %add3A_468 : f32 to vector<16xf32>
      %add3A_470 = arith.addf %mul3A_467, %add3A_469 : vector<16xf32>
      %mul3A_471 = arith.mulf %add3A_470, %get3A_457 : vector<16xf32>
      %add3A_472 = arith.constant -9.683250e+00 : f32
      %add3A_473 = vector.broadcast %add3A_472 : f32 to vector<16xf32>
      %add3A_474 = arith.addf %mul3A_471, %add3A_473 : vector<16xf32>
      %mul3A_475 = arith.mulf %add3A_474, %get3A_457 : vector<16xf32>
      %add3A_476 = arith.constant 6.99645567 : f32
      %add3A_477 = vector.broadcast %add3A_476 : f32 to vector<16xf32>
      %add3A_478 = arith.addf %mul3A_475, %add3A_477 : vector<16xf32>
      %mul3A_479 = arith.mulf %add3A_478, %get3A_457 : vector<16xf32>
      %add3A_480 = arith.constant -2.6248188 : f32
      %add3A_481 = vector.broadcast %add3A_480 : f32 to vector<16xf32>
      %add3A_482 = arith.addf %mul3A_479, %add3A_481 : vector<16xf32>
      %select_n3A_483 = arith.select %gt3A_460, %add3A_482, %broadcast_in_dim3A_54 : vector<16xi1>, vector<16xf32>
      %add3A_484 = arith.addf %add3A_230, %select_n3A_483 : vector<16xf32>
      %get3A_485 = arith.constant 2 : i32
      %get3A_486 = arith.index_cast %get3A_485 : i32 to index
      %get3A_487 = arith.index_cast %add3A_422 : i32 to index
      %get3A_488 = tpu.vector_load %arg4[%get3A_486, %get3A_487] {strides = array<i32>} : memref<8x2048xf32, #tpu.memory_space<vmem>>, vector<16xf32>,
      %gt3A_489 = arith.constant 5.000000e-01 : f32
      %gt3A_490 = vector.broadcast %gt3A_489 : f32 to vector<16xf32>
      %gt3A_491 = arith.cmpf ogt, %get3A_488, %gt3A_490 : vector<16xf32>
      %broadcast_in_dim3A_492 = arith.constant 9.632840e-01 : f32
      %broadcast_in_dim3A_493 = vector.broadcast %broadcast_in_dim3A_492 : f32 to vector<16xf32>
      %mul3A_494 = arith.mulf %broadcast_in_dim3A_493, %get3A_488 : vector<16xf32>
      %add3A_495 = arith.constant -4.49012041 : f32
      %add3A_496 = vector.broadcast %add3A_495 : f32 to vector<16xf32>
      %add3A_497 = arith.addf %mul3A_494, %add3A_496 : vector<16xf32>
      %mul3A_498 = arith.mulf %add3A_497, %get3A_488 : vector<16xf32>
      %add3A_499 = arith.constant 8.83846569 : f32
      %add3A_500 = vector.broadcast %add3A_499 : f32 to vector<16xf32>
      %add3A_501 = arith.addf %mul3A_498, %add3A_500 : vector<16xf32>
      %mul3A_502 = arith.mulf %add3A_501, %get3A_488 : vector<16xf32>
      %add3A_503 = arith.constant -9.683250e+00 : f32
      %add3A_504 = vector.broadcast %add3A_503 : f32 to vector<16xf32>
      %add3A_505 = arith.addf %mul3A_502, %add3A_504 : vector<16xf32>
      %mul3A_506 = arith.mulf %add3A_505, %get3A_488 : vector<16xf32>
      %add3A_507 = arith.constant 6.99645567 : f32
      %add3A_508 = vector.broadcast %add3A_507 : f32 to vector<16xf32>
      %add3A_509 = arith.addf %mul3A_506, %add3A_508 : vector<16xf32>
      %mul3A_510 = arith.mulf %add3A_509, %get3A_488 : vector<16xf32>
      %add3A_511 = arith.constant -2.6248188 : f32
      %add3A_512 = vector.broadcast %add3A_511 : f32 to vector<16xf32>
      %add3A_513 = arith.addf %mul3A_510, %add3A_512 : vector<16xf32>
      %select_n3A_514 = arith.select %gt3A_491, %add3A_513, %broadcast_in_dim3A_54 : vector<16xi1>, vector<16xf32>
      %add3A_515 = arith.addf %add3A_261, %select_n3A_514 : vector<16xf32>
      %get3A_516 = arith.constant 3 : i32
      %get3A_517 = arith.index_cast %get3A_516 : i32 to index
      %get3A_518 = arith.index_cast %add3A_422 : i32 to index
      %get3A_519 = tpu.vector_load %arg4[%get3A_517, %get3A_518] {strides = array<i32>} : memref<8x2048xf32, #tpu.memory_space<vmem>>, vector<16xf32>,
      %gt3A_520 = arith.constant 5.000000e-01 : f32
      %gt3A_521 = vector.broadcast %gt3A_520 : f32 to vector<16xf32>
      %gt3A_522 = arith.cmpf ogt, %get3A_519, %gt3A_521 : vector<16xf32>
      %broadcast_in_dim3A_523 = arith.constant 9.632840e-01 : f32
      %broadcast_in_dim3A_524 = vector.broadcast %broadcast_in_dim3A_523 : f32 to vector<16xf32>
      %mul3A_525 = arith.mulf %broadcast_in_dim3A_524, %get3A_519 : vector<16xf32>
      %add3A_526 = arith.constant -4.49012041 : f32
      %add3A_527 = vector.broadcast %add3A_526 : f32 to vector<16xf32>
      %add3A_528 = arith.addf %mul3A_525, %add3A_527 : vector<16xf32>
      %mul3A_529 = arith.mulf %add3A_528, %get3A_519 : vector<16xf32>
      %add3A_530 = arith.constant 8.83846569 : f32
      %add3A_531 = vector.broadcast %add3A_530 : f32 to vector<16xf32>
      %add3A_532 = arith.addf %mul3A_529, %add3A_531 : vector<16xf32>
      %mul3A_533 = arith.mulf %add3A_532, %get3A_519 : vector<16xf32>
      %add3A_534 = arith.constant -9.683250e+00 : f32
      %add3A_535 = vector.broadcast %add3A_534 : f32 to vector<16xf32>
      %add3A_536 = arith.addf %mul3A_533, %add3A_535 : vector<16xf32>
      %mul3A_537 = arith.mulf %add3A_536, %get3A_519 : vector<16xf32>
      %add3A_538 = arith.constant 6.99645567 : f32
      %add3A_539 = vector.broadcast %add3A_538 : f32 to vector<16xf32>
      %add3A_540 = arith.addf %mul3A_537, %add3A_539 : vector<16xf32>
      %mul3A_541 = arith.mulf %add3A_540, %get3A_519 : vector<16xf32>
      %add3A_542 = arith.constant -2.6248188 : f32
      %add3A_543 = vector.broadcast %add3A_542 : f32 to vector<16xf32>
      %add3A_544 = arith.addf %mul3A_541, %add3A_543 : vector<16xf32>
      %select_n3A_545 = arith.select %gt3A_522, %add3A_544, %broadcast_in_dim3A_54 : vector<16xi1>, vector<16xf32>
      %add3A_546 = arith.addf %add3A_292, %select_n3A_545 : vector<16xf32>
      %get3A_547 = arith.constant 4 : i32
      %get3A_548 = arith.index_cast %get3A_547 : i32 to index
      %get3A_549 = arith.index_cast %add3A_422 : i32 to index
      %get3A_550 = tpu.vector_load %arg4[%get3A_548, %get3A_549] {strides = array<i32>} : memref<8x2048xf32, #tpu.memory_space<vmem>>, vector<16xf32>,
      %gt3A_551 = arith.constant 5.000000e-01 : f32
      %gt3A_552 = vector.broadcast %gt3A_551 : f32 to vector<16xf32>
      %gt3A_553 = arith.cmpf ogt, %get3A_550, %gt3A_552 : vector<16xf32>
      %broadcast_in_dim3A_554 = arith.constant 9.632840e-01 : f32
      %broadcast_in_dim3A_555 = vector.broadcast %broadcast_in_dim3A_554 : f32 to vector<16xf32>
      %mul3A_556 = arith.mulf %broadcast_in_dim3A_555, %get3A_550 : vector<16xf32>
      %add3A_557 = arith.constant -4.49012041 : f32
      %add3A_558 = vector.broadcast %add3A_557 : f32 to vector<16xf32>
      %add3A_559 = arith.addf %mul3A_556, %add3A_558 : vector<16xf32>
      %mul3A_560 = arith.mulf %add3A_559, %get3A_550 : vector<16xf32>
      %add3A_561 = arith.constant 8.83846569 : f32
      %add3A_562 = vector.broadcast %add3A_561 : f32 to vector<16xf32>
      %add3A_563 = arith.addf %mul3A_560, %add3A_562 : vector<16xf32>
      %mul3A_564 = arith.mulf %add3A_563, %get3A_550 : vector<16xf32>
      %add3A_565 = arith.constant -9.683250e+00 : f32
      %add3A_566 = vector.broadcast %add3A_565 : f32 to vector<16xf32>
      %add3A_567 = arith.addf %mul3A_564, %add3A_566 : vector<16xf32>
      %mul3A_568 = arith.mulf %add3A_567, %get3A_550 : vector<16xf32>
      %add3A_569 = arith.constant 6.99645567 : f32
      %add3A_570 = vector.broadcast %add3A_569 : f32 to vector<16xf32>
      %add3A_571 = arith.addf %mul3A_568, %add3A_570 : vector<16xf32>
      %mul3A_572 = arith.mulf %add3A_571, %get3A_550 : vector<16xf32>
      %add3A_573 = arith.constant -2.6248188 : f32
      %add3A_574 = vector.broadcast %add3A_573 : f32 to vector<16xf32>
      %add3A_575 = arith.addf %mul3A_572, %add3A_574 : vector<16xf32>
      %select_n3A_576 = arith.select %gt3A_553, %add3A_575, %broadcast_in_dim3A_54 : vector<16xi1>, vector<16xf32>
      %add3A_577 = arith.addf %add3A_323, %select_n3A_576 : vector<16xf32>
      %get3A_578 = arith.constant 5 : i32
      %get3A_579 = arith.index_cast %get3A_578 : i32 to index
      %get3A_580 = arith.index_cast %add3A_422 : i32 to index
      %get3A_581 = tpu.vector_load %arg4[%get3A_579, %get3A_580] {strides = array<i32>} : memref<8x2048xf32, #tpu.memory_space<vmem>>, vector<16xf32>,
      %gt3A_582 = arith.constant 5.000000e-01 : f32
      %gt3A_583 = vector.broadcast %gt3A_582 : f32 to vector<16xf32>
      %gt3A_584 = arith.cmpf ogt, %get3A_581, %gt3A_583 : vector<16xf32>
      %broadcast_in_dim3A_585 = arith.constant 9.632840e-01 : f32
      %broadcast_in_dim3A_586 = vector.broadcast %broadcast_in_dim3A_585 : f32 to vector<16xf32>
      %mul3A_587 = arith.mulf %broadcast_in_dim3A_586, %get3A_581 : vector<16xf32>
      %add3A_588 = arith.constant -4.49012041 : f32
      %add3A_589 = vector.broadcast %add3A_588 : f32 to vector<16xf32>
      %add3A_590 = arith.addf %mul3A_587, %add3A_589 : vector<16xf32>
      %mul3A_591 = arith.mulf %add3A_590, %get3A_581 : vector<16xf32>
      %add3A_592 = arith.constant 8.83846569 : f32
      %add3A_593 = vector.broadcast %add3A_592 : f32 to vector<16xf32>
      %add3A_594 = arith.addf %mul3A_591, %add3A_593 : vector<16xf32>
      %mul3A_595 = arith.mulf %add3A_594, %get3A_581 : vector<16xf32>
      %add3A_596 = arith.constant -9.683250e+00 : f32
      %add3A_597 = vector.broadcast %add3A_596 : f32 to vector<16xf32>
      %add3A_598 = arith.addf %mul3A_595, %add3A_597 : vector<16xf32>
      %mul3A_599 = arith.mulf %add3A_598, %get3A_581 : vector<16xf32>
      %add3A_600 = arith.constant 6.99645567 : f32
      %add3A_601 = vector.broadcast %add3A_600 : f32 to vector<16xf32>
      %add3A_602 = arith.addf %mul3A_599, %add3A_601 : vector<16xf32>
      %mul3A_603 = arith.mulf %add3A_602, %get3A_581 : vector<16xf32>
      %add3A_604 = arith.constant -2.6248188 : f32
      %add3A_605 = vector.broadcast %add3A_604 : f32 to vector<16xf32>
      %add3A_606 = arith.addf %mul3A_603, %add3A_605 : vector<16xf32>
      %select_n3A_607 = arith.select %gt3A_584, %add3A_606, %broadcast_in_dim3A_54 : vector<16xi1>, vector<16xf32>
      %add3A_608 = arith.addf %add3A_354, %select_n3A_607 : vector<16xf32>
      %get3A_609 = arith.constant 6 : i32
      %get3A_610 = arith.index_cast %get3A_609 : i32 to index
      %get3A_611 = arith.index_cast %add3A_422 : i32 to index
      %get3A_612 = tpu.vector_load %arg4[%get3A_610, %get3A_611] {strides = array<i32>} : memref<8x2048xf32, #tpu.memory_space<vmem>>, vector<16xf32>,
      %gt3A_613 = arith.constant 5.000000e-01 : f32
      %gt3A_614 = vector.broadcast %gt3A_613 : f32 to vector<16xf32>
      %gt3A_615 = arith.cmpf ogt, %get3A_612, %gt3A_614 : vector<16xf32>
      %broadcast_in_dim3A_616 = arith.constant 9.632840e-01 : f32
      %broadcast_in_dim3A_617 = vector.broadcast %broadcast_in_dim3A_616 : f32 to vector<16xf32>
      %mul3A_618 = arith.mulf %broadcast_in_dim3A_617, %get3A_612 : vector<16xf32>
      %add3A_619 = arith.constant -4.49012041 : f32
      %add3A_620 = vector.broadcast %add3A_619 : f32 to vector<16xf32>
      %add3A_621 = arith.addf %mul3A_618, %add3A_620 : vector<16xf32>
      %mul3A_622 = arith.mulf %add3A_621, %get3A_612 : vector<16xf32>
      %add3A_623 = arith.constant 8.83846569 : f32
      %add3A_624 = vector.broadcast %add3A_623 : f32 to vector<16xf32>
      %add3A_625 = arith.addf %mul3A_622, %add3A_624 : vector<16xf32>
      %mul3A_626 = arith.mulf %add3A_625, %get3A_612 : vector<16xf32>
      %add3A_627 = arith.constant -9.683250e+00 : f32
      %add3A_628 = vector.broadcast %add3A_627 : f32 to vector<16xf32>
      %add3A_629 = arith.addf %mul3A_626, %add3A_628 : vector<16xf32>
      %mul3A_630 = arith.mulf %add3A_629, %get3A_612 : vector<16xf32>
      %add3A_631 = arith.constant 6.99645567 : f32
      %add3A_632 = vector.broadcast %add3A_631 : f32 to vector<16xf32>
      %add3A_633 = arith.addf %mul3A_630, %add3A_632 : vector<16xf32>
      %mul3A_634 = arith.mulf %add3A_633, %get3A_612 : vector<16xf32>
      %add3A_635 = arith.constant -2.6248188 : f32
      %add3A_636 = vector.broadcast %add3A_635 : f32 to vector<16xf32>
      %add3A_637 = arith.addf %mul3A_634, %add3A_636 : vector<16xf32>
      %select_n3A_638 = arith.select %gt3A_615, %add3A_637, %broadcast_in_dim3A_54 : vector<16xi1>, vector<16xf32>
      %add3A_639 = arith.addf %add3A_385, %select_n3A_638 : vector<16xf32>
      %get3A_640 = arith.constant 7 : i32
      %get3A_641 = arith.index_cast %get3A_640 : i32 to index
      %get3A_642 = arith.index_cast %add3A_422 : i32 to index
      %get3A_643 = tpu.vector_load %arg4[%get3A_641, %get3A_642] {strides = array<i32>} : memref<8x2048xf32, #tpu.memory_space<vmem>>, vector<16xf32>,
      %gt3A_644 = arith.constant 5.000000e-01 : f32
      %gt3A_645 = vector.broadcast %gt3A_644 : f32 to vector<16xf32>
      %gt3A_646 = arith.cmpf ogt, %get3A_643, %gt3A_645 : vector<16xf32>
      %broadcast_in_dim3A_647 = arith.constant 9.632840e-01 : f32
      %broadcast_in_dim3A_648 = vector.broadcast %broadcast_in_dim3A_647 : f32 to vector<16xf32>
      %mul3A_649 = arith.mulf %broadcast_in_dim3A_648, %get3A_643 : vector<16xf32>
      %add3A_650 = arith.constant -4.49012041 : f32
      %add3A_651 = vector.broadcast %add3A_650 : f32 to vector<16xf32>
      %add3A_652 = arith.addf %mul3A_649, %add3A_651 : vector<16xf32>
      %mul3A_653 = arith.mulf %add3A_652, %get3A_643 : vector<16xf32>
      %add3A_654 = arith.constant 8.83846569 : f32
      %add3A_655 = vector.broadcast %add3A_654 : f32 to vector<16xf32>
      %add3A_656 = arith.addf %mul3A_653, %add3A_655 : vector<16xf32>
      %mul3A_657 = arith.mulf %add3A_656, %get3A_643 : vector<16xf32>
      %add3A_658 = arith.constant -9.683250e+00 : f32
      %add3A_659 = vector.broadcast %add3A_658 : f32 to vector<16xf32>
      %add3A_660 = arith.addf %mul3A_657, %add3A_659 : vector<16xf32>
      %mul3A_661 = arith.mulf %add3A_660, %get3A_643 : vector<16xf32>
      %add3A_662 = arith.constant 6.99645567 : f32
      %add3A_663 = vector.broadcast %add3A_662 : f32 to vector<16xf32>
      %add3A_664 = arith.addf %mul3A_661, %add3A_663 : vector<16xf32>
      %mul3A_665 = arith.mulf %add3A_664, %get3A_643 : vector<16xf32>
      %add3A_666 = arith.constant -2.6248188 : f32
      %add3A_667 = vector.broadcast %add3A_666 : f32 to vector<16xf32>
      %add3A_668 = arith.addf %mul3A_665, %add3A_667 : vector<16xf32>
      %select_n3A_669 = arith.select %gt3A_646, %add3A_668, %broadcast_in_dim3A_54 : vector<16xi1>, vector<16xf32>
      %add3A_670 = arith.addf %add3A_416, %select_n3A_669 : vector<16xf32>
      scf.yield %add3A_453, %add3A_484, %add3A_515, %add3A_546, %add3A_577, %add3A_608, %add3A_639, %add3A_670 : vector<16xf32>, vector<16xf32>, vector<16xf32>, vector<16xf32>, vector<16xf32>, vector<16xf32>, vector<16xf32>, vector<16xf32>
    }
    %scan3A_66 = arith.constant 64 : i32
    %dma_wait3A_67 = arith.constant 0 : i32
    %dma_wait3A_68 = arith.constant 1024 : i32
    %dma_wait3A_69 = tpu.memref_slice %arg4[%dma_wait3A_67, %dma_wait3A_68] : memref<8x2048xf32, #tpu.memory_space<vmem>> -> memref<8x1024xf32, #tpu.memory_space<vmem>>
    %dma_wait3A_70 = tpu.memref_slice %arg2[%mul3A_32, %add3A_45] : memref<64x8192xf32, #tpu.memory_space<hbm>> -> memref<8x1024xf32, #tpu.memory_space<hbm>>
    %dma_wait3A_71 = arith.constant 0 : i32
    %dma_wait3A_72 = arith.constant 1024 : i32
    %dma_wait3A_73 = tpu.memref_slice %arg4[%dma_wait3A_71, %dma_wait3A_72] : memref<8x2048xf32, #tpu.memory_space<vmem>> -> memref<8x1024xf32, #tpu.memory_space<vmem>>
    %dma_wait3A_74 = tpu.memref_slice %arg2[%mul3A_32, %add3A_45] : memref<64x8192xf32, #tpu.memory_space<hbm>> -> memref<8x1024xf32, #tpu.memory_space<hbm>>
    tpu.wait_dma2 semaphore(%arg9 : memref<!tpu.dma_semaphore, #tpu.memory_space<semaphore_mem>>) src(%dma_wait3A_74 : memref<8x1024xf32, #tpu.memory_space<hbm>>) dst(%dma_wait3A_73 : memref<8x1024xf32, #tpu.memory_space<vmem>>)
    %scan3A_75 = arith.constant 0 : i32
    %scan3A_76 = arith.constant 64 : i32
    %scan3A_77 = arith.addi %scan3A_75, %scan3A_76 : i32
    %scan3A_78 = arith.constant 2 : i32
    %scan3A_79:8 = scf.for %scan3A_158 = %scan3A_75 to %scan3A_77 step %scan3A_78 iter_args(%scan3A_159 = %scan3A_65#0, %scan3A_160 = %scan3A_65#1, %scan3A_161 = %scan3A_65#2, %scan3A_162 = %scan3A_65#3, %scan3A_163 = %scan3A_65#4, %scan3A_164 = %scan3A_65#5, %scan3A_165 = %scan3A_65#6, %scan3A_166 = %scan3A_65#7) -> (vector<16xf32>, vector<16xf32>, vector<16xf32>, vector<16xf32>, vector<16xf32>, vector<16xf32>, vector<16xf32>, vector<16xf32>)  : i32 {
      %mul3A_167 = arith.constant 16 : i32
      %mul3A_168 = arith.muli %scan3A_158, %mul3A_167 : i32
      %add3A_169 = arith.constant 1024 : i32
      %add3A_170 = arith.addi %add3A_169, %mul3A_168 : i32
      %get3A = arith.constant 0 : i32
      %get3A_171 = arith.index_cast %get3A : i32 to index
      %get3A_172 = arith.index_cast %add3A_170 : i32 to index
      %get3A_173 = tpu.vector_load %arg4[%get3A_171, %get3A_172] {strides = array<i32>} : memref<8x2048xf32, #tpu.memory_space<vmem>>, vector<16xf32>,
      %gt3A = arith.constant 5.000000e-01 : f32
      %gt3A_174 = vector.broadcast %gt3A : f32 to vector<16xf32>
      %gt3A_175 = arith.cmpf ogt, %get3A_173, %gt3A_174 : vector<16xf32>
      %broadcast_in_dim3A_176 = arith.constant 9.632840e-01 : f32
      %broadcast_in_dim3A_177 = vector.broadcast %broadcast_in_dim3A_176 : f32 to vector<16xf32>
      %mul3A_178 = arith.mulf %broadcast_in_dim3A_177, %get3A_173 : vector<16xf32>
      %add3A_179 = arith.constant -4.49012041 : f32
      %add3A_180 = vector.broadcast %add3A_179 : f32 to vector<16xf32>
      %add3A_181 = arith.addf %mul3A_178, %add3A_180 : vector<16xf32>
      %mul3A_182 = arith.mulf %add3A_181, %get3A_173 : vector<16xf32>
      %add3A_183 = arith.constant 8.83846569 : f32
      %add3A_184 = vector.broadcast %add3A_183 : f32 to vector<16xf32>
      %add3A_185 = arith.addf %mul3A_182, %add3A_184 : vector<16xf32>
      %mul3A_186 = arith.mulf %add3A_185, %get3A_173 : vector<16xf32>
      %add3A_187 = arith.constant -9.683250e+00 : f32
      %add3A_188 = vector.broadcast %add3A_187 : f32 to vector<16xf32>
      %add3A_189 = arith.addf %mul3A_186, %add3A_188 : vector<16xf32>
      %mul3A_190 = arith.mulf %add3A_189, %get3A_173 : vector<16xf32>
      %add3A_191 = arith.constant 6.99645567 : f32
      %add3A_192 = vector.broadcast %add3A_191 : f32 to vector<16xf32>
      %add3A_193 = arith.addf %mul3A_190, %add3A_192 : vector<16xf32>
      %mul3A_194 = arith.mulf %add3A_193, %get3A_173 : vector<16xf32>
      %add3A_195 = arith.constant -2.6248188 : f32
      %add3A_196 = vector.broadcast %add3A_195 : f32 to vector<16xf32>
      %add3A_197 = arith.addf %mul3A_194, %add3A_196 : vector<16xf32>
      %select_n3A_198 = arith.select %gt3A_175, %add3A_197, %broadcast_in_dim3A_54 : vector<16xi1>, vector<16xf32>
      %add3A_199 = arith.addf %scan3A_159, %select_n3A_198 : vector<16xf32>
      %get3A_200 = arith.constant 1 : i32
      %get3A_201 = arith.index_cast %get3A_200 : i32 to index
      %get3A_202 = arith.index_cast %add3A_170 : i32 to index
      %get3A_203 = tpu.vector_load %arg4[%get3A_201, %get3A_202] {strides = array<i32>} : memref<8x2048xf32, #tpu.memory_space<vmem>>, vector<16xf32>,
      %gt3A_204 = arith.constant 5.000000e-01 : f32
      %gt3A_205 = vector.broadcast %gt3A_204 : f32 to vector<16xf32>
      %gt3A_206 = arith.cmpf ogt, %get3A_203, %gt3A_205 : vector<16xf32>
      %broadcast_in_dim3A_207 = arith.constant 9.632840e-01 : f32
      %broadcast_in_dim3A_208 = vector.broadcast %broadcast_in_dim3A_207 : f32 to vector<16xf32>
      %mul3A_209 = arith.mulf %broadcast_in_dim3A_208, %get3A_203 : vector<16xf32>
      %add3A_210 = arith.constant -4.49012041 : f32
      %add3A_211 = vector.broadcast %add3A_210 : f32 to vector<16xf32>
      %add3A_212 = arith.addf %mul3A_209, %add3A_211 : vector<16xf32>
      %mul3A_213 = arith.mulf %add3A_212, %get3A_203 : vector<16xf32>
      %add3A_214 = arith.constant 8.83846569 : f32
      %add3A_215 = vector.broadcast %add3A_214 : f32 to vector<16xf32>
      %add3A_216 = arith.addf %mul3A_213, %add3A_215 : vector<16xf32>
      %mul3A_217 = arith.mulf %add3A_216, %get3A_203 : vector<16xf32>
      %add3A_218 = arith.constant -9.683250e+00 : f32
      %add3A_219 = vector.broadcast %add3A_218 : f32 to vector<16xf32>
      %add3A_220 = arith.addf %mul3A_217, %add3A_219 : vector<16xf32>
      %mul3A_221 = arith.mulf %add3A_220, %get3A_203 : vector<16xf32>
      %add3A_222 = arith.constant 6.99645567 : f32
      %add3A_223 = vector.broadcast %add3A_222 : f32 to vector<16xf32>
      %add3A_224 = arith.addf %mul3A_221, %add3A_223 : vector<16xf32>
      %mul3A_225 = arith.mulf %add3A_224, %get3A_203 : vector<16xf32>
      %add3A_226 = arith.constant -2.6248188 : f32
      %add3A_227 = vector.broadcast %add3A_226 : f32 to vector<16xf32>
      %add3A_228 = arith.addf %mul3A_225, %add3A_227 : vector<16xf32>
      %select_n3A_229 = arith.select %gt3A_206, %add3A_228, %broadcast_in_dim3A_54 : vector<16xi1>, vector<16xf32>
      %add3A_230 = arith.addf %scan3A_160, %select_n3A_229 : vector<16xf32>
      %get3A_231 = arith.constant 2 : i32
      %get3A_232 = arith.index_cast %get3A_231 : i32 to index
      %get3A_233 = arith.index_cast %add3A_170 : i32 to index
      %get3A_234 = tpu.vector_load %arg4[%get3A_232, %get3A_233] {strides = array<i32>} : memref<8x2048xf32, #tpu.memory_space<vmem>>, vector<16xf32>,
      %gt3A_235 = arith.constant 5.000000e-01 : f32
      %gt3A_236 = vector.broadcast %gt3A_235 : f32 to vector<16xf32>
      %gt3A_237 = arith.cmpf ogt, %get3A_234, %gt3A_236 : vector<16xf32>
      %broadcast_in_dim3A_238 = arith.constant 9.632840e-01 : f32
      %broadcast_in_dim3A_239 = vector.broadcast %broadcast_in_dim3A_238 : f32 to vector<16xf32>
      %mul3A_240 = arith.mulf %broadcast_in_dim3A_239, %get3A_234 : vector<16xf32>
      %add3A_241 = arith.constant -4.49012041 : f32
      %add3A_242 = vector.broadcast %add3A_241 : f32 to vector<16xf32>
      %add3A_243 = arith.addf %mul3A_240, %add3A_242 : vector<16xf32>
      %mul3A_244 = arith.mulf %add3A_243, %get3A_234 : vector<16xf32>
      %add3A_245 = arith.constant 8.83846569 : f32
      %add3A_246 = vector.broadcast %add3A_245 : f32 to vector<16xf32>
      %add3A_247 = arith.addf %mul3A_244, %add3A_246 : vector<16xf32>
      %mul3A_248 = arith.mulf %add3A_247, %get3A_234 : vector<16xf32>
      %add3A_249 = arith.constant -9.683250e+00 : f32
      %add3A_250 = vector.broadcast %add3A_249 : f32 to vector<16xf32>
      %add3A_251 = arith.addf %mul3A_248, %add3A_250 : vector<16xf32>
      %mul3A_252 = arith.mulf %add3A_251, %get3A_234 : vector<16xf32>
      %add3A_253 = arith.constant 6.99645567 : f32
      %add3A_254 = vector.broadcast %add3A_253 : f32 to vector<16xf32>
      %add3A_255 = arith.addf %mul3A_252, %add3A_254 : vector<16xf32>
      %mul3A_256 = arith.mulf %add3A_255, %get3A_234 : vector<16xf32>
      %add3A_257 = arith.constant -2.6248188 : f32
      %add3A_258 = vector.broadcast %add3A_257 : f32 to vector<16xf32>
      %add3A_259 = arith.addf %mul3A_256, %add3A_258 : vector<16xf32>
      %select_n3A_260 = arith.select %gt3A_237, %add3A_259, %broadcast_in_dim3A_54 : vector<16xi1>, vector<16xf32>
      %add3A_261 = arith.addf %scan3A_161, %select_n3A_260 : vector<16xf32>
      %get3A_262 = arith.constant 3 : i32
      %get3A_263 = arith.index_cast %get3A_262 : i32 to index
      %get3A_264 = arith.index_cast %add3A_170 : i32 to index
      %get3A_265 = tpu.vector_load %arg4[%get3A_263, %get3A_264] {strides = array<i32>} : memref<8x2048xf32, #tpu.memory_space<vmem>>, vector<16xf32>,
      %gt3A_266 = arith.constant 5.000000e-01 : f32
      %gt3A_267 = vector.broadcast %gt3A_266 : f32 to vector<16xf32>
      %gt3A_268 = arith.cmpf ogt, %get3A_265, %gt3A_267 : vector<16xf32>
      %broadcast_in_dim3A_269 = arith.constant 9.632840e-01 : f32
      %broadcast_in_dim3A_270 = vector.broadcast %broadcast_in_dim3A_269 : f32 to vector<16xf32>
      %mul3A_271 = arith.mulf %broadcast_in_dim3A_270, %get3A_265 : vector<16xf32>
      %add3A_272 = arith.constant -4.49012041 : f32
      %add3A_273 = vector.broadcast %add3A_272 : f32 to vector<16xf32>
      %add3A_274 = arith.addf %mul3A_271, %add3A_273 : vector<16xf32>
      %mul3A_275 = arith.mulf %add3A_274, %get3A_265 : vector<16xf32>
      %add3A_276 = arith.constant 8.83846569 : f32
      %add3A_277 = vector.broadcast %add3A_276 : f32 to vector<16xf32>
      %add3A_278 = arith.addf %mul3A_275, %add3A_277 : vector<16xf32>
      %mul3A_279 = arith.mulf %add3A_278, %get3A_265 : vector<16xf32>
      %add3A_280 = arith.constant -9.683250e+00 : f32
      %add3A_281 = vector.broadcast %add3A_280 : f32 to vector<16xf32>
      %add3A_282 = arith.addf %mul3A_279, %add3A_281 : vector<16xf32>
      %mul3A_283 = arith.mulf %add3A_282, %get3A_265 : vector<16xf32>
      %add3A_284 = arith.constant 6.99645567 : f32
      %add3A_285 = vector.broadcast %add3A_284 : f32 to vector<16xf32>
      %add3A_286 = arith.addf %mul3A_283, %add3A_285 : vector<16xf32>
      %mul3A_287 = arith.mulf %add3A_286, %get3A_265 : vector<16xf32>
      %add3A_288 = arith.constant -2.6248188 : f32
      %add3A_289 = vector.broadcast %add3A_288 : f32 to vector<16xf32>
      %add3A_290 = arith.addf %mul3A_287, %add3A_289 : vector<16xf32>
      %select_n3A_291 = arith.select %gt3A_268, %add3A_290, %broadcast_in_dim3A_54 : vector<16xi1>, vector<16xf32>
      %add3A_292 = arith.addf %scan3A_162, %select_n3A_291 : vector<16xf32>
      %get3A_293 = arith.constant 4 : i32
      %get3A_294 = arith.index_cast %get3A_293 : i32 to index
      %get3A_295 = arith.index_cast %add3A_170 : i32 to index
      %get3A_296 = tpu.vector_load %arg4[%get3A_294, %get3A_295] {strides = array<i32>} : memref<8x2048xf32, #tpu.memory_space<vmem>>, vector<16xf32>,
      %gt3A_297 = arith.constant 5.000000e-01 : f32
      %gt3A_298 = vector.broadcast %gt3A_297 : f32 to vector<16xf32>
      %gt3A_299 = arith.cmpf ogt, %get3A_296, %gt3A_298 : vector<16xf32>
      %broadcast_in_dim3A_300 = arith.constant 9.632840e-01 : f32
      %broadcast_in_dim3A_301 = vector.broadcast %broadcast_in_dim3A_300 : f32 to vector<16xf32>
      %mul3A_302 = arith.mulf %broadcast_in_dim3A_301, %get3A_296 : vector<16xf32>
      %add3A_303 = arith.constant -4.49012041 : f32
      %add3A_304 = vector.broadcast %add3A_303 : f32 to vector<16xf32>
      %add3A_305 = arith.addf %mul3A_302, %add3A_304 : vector<16xf32>
      %mul3A_306 = arith.mulf %add3A_305, %get3A_296 : vector<16xf32>
      %add3A_307 = arith.constant 8.83846569 : f32
      %add3A_308 = vector.broadcast %add3A_307 : f32 to vector<16xf32>
      %add3A_309 = arith.addf %mul3A_306, %add3A_308 : vector<16xf32>
      %mul3A_310 = arith.mulf %add3A_309, %get3A_296 : vector<16xf32>
      %add3A_311 = arith.constant -9.683250e+00 : f32
      %add3A_312 = vector.broadcast %add3A_311 : f32 to vector<16xf32>
      %add3A_313 = arith.addf %mul3A_310, %add3A_312 : vector<16xf32>
      %mul3A_314 = arith.mulf %add3A_313, %get3A_296 : vector<16xf32>
      %add3A_315 = arith.constant 6.99645567 : f32
      %add3A_316 = vector.broadcast %add3A_315 : f32 to vector<16xf32>
      %add3A_317 = arith.addf %mul3A_314, %add3A_316 : vector<16xf32>
      %mul3A_318 = arith.mulf %add3A_317, %get3A_296 : vector<16xf32>
      %add3A_319 = arith.constant -2.6248188 : f32
      %add3A_320 = vector.broadcast %add3A_319 : f32 to vector<16xf32>
      %add3A_321 = arith.addf %mul3A_318, %add3A_320 : vector<16xf32>
      %select_n3A_322 = arith.select %gt3A_299, %add3A_321, %broadcast_in_dim3A_54 : vector<16xi1>, vector<16xf32>
      %add3A_323 = arith.addf %scan3A_163, %select_n3A_322 : vector<16xf32>
      %get3A_324 = arith.constant 5 : i32
      %get3A_325 = arith.index_cast %get3A_324 : i32 to index
      %get3A_326 = arith.index_cast %add3A_170 : i32 to index
      %get3A_327 = tpu.vector_load %arg4[%get3A_325, %get3A_326] {strides = array<i32>} : memref<8x2048xf32, #tpu.memory_space<vmem>>, vector<16xf32>,
      %gt3A_328 = arith.constant 5.000000e-01 : f32
      %gt3A_329 = vector.broadcast %gt3A_328 : f32 to vector<16xf32>
      %gt3A_330 = arith.cmpf ogt, %get3A_327, %gt3A_329 : vector<16xf32>
      %broadcast_in_dim3A_331 = arith.constant 9.632840e-01 : f32
      %broadcast_in_dim3A_332 = vector.broadcast %broadcast_in_dim3A_331 : f32 to vector<16xf32>
      %mul3A_333 = arith.mulf %broadcast_in_dim3A_332, %get3A_327 : vector<16xf32>
      %add3A_334 = arith.constant -4.49012041 : f32
      %add3A_335 = vector.broadcast %add3A_334 : f32 to vector<16xf32>
      %add3A_336 = arith.addf %mul3A_333, %add3A_335 : vector<16xf32>
      %mul3A_337 = arith.mulf %add3A_336, %get3A_327 : vector<16xf32>
      %add3A_338 = arith.constant 8.83846569 : f32
      %add3A_339 = vector.broadcast %add3A_338 : f32 to vector<16xf32>
      %add3A_340 = arith.addf %mul3A_337, %add3A_339 : vector<16xf32>
      %mul3A_341 = arith.mulf %add3A_340, %get3A_327 : vector<16xf32>
      %add3A_342 = arith.constant -9.683250e+00 : f32
      %add3A_343 = vector.broadcast %add3A_342 : f32 to vector<16xf32>
      %add3A_344 = arith.addf %mul3A_341, %add3A_343 : vector<16xf32>
      %mul3A_345 = arith.mulf %add3A_344, %get3A_327 : vector<16xf32>
      %add3A_346 = arith.constant 6.99645567 : f32
      %add3A_347 = vector.broadcast %add3A_346 : f32 to vector<16xf32>
      %add3A_348 = arith.addf %mul3A_345, %add3A_347 : vector<16xf32>
      %mul3A_349 = arith.mulf %add3A_348, %get3A_327 : vector<16xf32>
      %add3A_350 = arith.constant -2.6248188 : f32
      %add3A_351 = vector.broadcast %add3A_350 : f32 to vector<16xf32>
      %add3A_352 = arith.addf %mul3A_349, %add3A_351 : vector<16xf32>
      %select_n3A_353 = arith.select %gt3A_330, %add3A_352, %broadcast_in_dim3A_54 : vector<16xi1>, vector<16xf32>
      %add3A_354 = arith.addf %scan3A_164, %select_n3A_353 : vector<16xf32>
      %get3A_355 = arith.constant 6 : i32
      %get3A_356 = arith.index_cast %get3A_355 : i32 to index
      %get3A_357 = arith.index_cast %add3A_170 : i32 to index
      %get3A_358 = tpu.vector_load %arg4[%get3A_356, %get3A_357] {strides = array<i32>} : memref<8x2048xf32, #tpu.memory_space<vmem>>, vector<16xf32>,
      %gt3A_359 = arith.constant 5.000000e-01 : f32
      %gt3A_360 = vector.broadcast %gt3A_359 : f32 to vector<16xf32>
      %gt3A_361 = arith.cmpf ogt, %get3A_358, %gt3A_360 : vector<16xf32>
      %broadcast_in_dim3A_362 = arith.constant 9.632840e-01 : f32
      %broadcast_in_dim3A_363 = vector.broadcast %broadcast_in_dim3A_362 : f32 to vector<16xf32>
      %mul3A_364 = arith.mulf %broadcast_in_dim3A_363, %get3A_358 : vector<16xf32>
      %add3A_365 = arith.constant -4.49012041 : f32
      %add3A_366 = vector.broadcast %add3A_365 : f32 to vector<16xf32>
      %add3A_367 = arith.addf %mul3A_364, %add3A_366 : vector<16xf32>
      %mul3A_368 = arith.mulf %add3A_367, %get3A_358 : vector<16xf32>
      %add3A_369 = arith.constant 8.83846569 : f32
      %add3A_370 = vector.broadcast %add3A_369 : f32 to vector<16xf32>
      %add3A_371 = arith.addf %mul3A_368, %add3A_370 : vector<16xf32>
      %mul3A_372 = arith.mulf %add3A_371, %get3A_358 : vector<16xf32>
      %add3A_373 = arith.constant -9.683250e+00 : f32
      %add3A_374 = vector.broadcast %add3A_373 : f32 to vector<16xf32>
      %add3A_375 = arith.addf %mul3A_372, %add3A_374 : vector<16xf32>
      %mul3A_376 = arith.mulf %add3A_375, %get3A_358 : vector<16xf32>
      %add3A_377 = arith.constant 6.99645567 : f32
      %add3A_378 = vector.broadcast %add3A_377 : f32 to vector<16xf32>
      %add3A_379 = arith.addf %mul3A_376, %add3A_378 : vector<16xf32>
      %mul3A_380 = arith.mulf %add3A_379, %get3A_358 : vector<16xf32>
      %add3A_381 = arith.constant -2.6248188 : f32
      %add3A_382 = vector.broadcast %add3A_381 : f32 to vector<16xf32>
      %add3A_383 = arith.addf %mul3A_380, %add3A_382 : vector<16xf32>
      %select_n3A_384 = arith.select %gt3A_361, %add3A_383, %broadcast_in_dim3A_54 : vector<16xi1>, vector<16xf32>
      %add3A_385 = arith.addf %scan3A_165, %select_n3A_384 : vector<16xf32>
      %get3A_386 = arith.constant 7 : i32
      %get3A_387 = arith.index_cast %get3A_386 : i32 to index
      %get3A_388 = arith.index_cast %add3A_170 : i32 to index
      %get3A_389 = tpu.vector_load %arg4[%get3A_387, %get3A_388] {strides = array<i32>} : memref<8x2048xf32, #tpu.memory_space<vmem>>, vector<16xf32>,
      %gt3A_390 = arith.constant 5.000000e-01 : f32
      %gt3A_391 = vector.broadcast %gt3A_390 : f32 to vector<16xf32>
      %gt3A_392 = arith.cmpf ogt, %get3A_389, %gt3A_391 : vector<16xf32>
      %broadcast_in_dim3A_393 = arith.constant 9.632840e-01 : f32
      %broadcast_in_dim3A_394 = vector.broadcast %broadcast_in_dim3A_393 : f32 to vector<16xf32>
      %mul3A_395 = arith.mulf %broadcast_in_dim3A_394, %get3A_389 : vector<16xf32>
      %add3A_396 = arith.constant -4.49012041 : f32
      %add3A_397 = vector.broadcast %add3A_396 : f32 to vector<16xf32>
      %add3A_398 = arith.addf %mul3A_395, %add3A_397 : vector<16xf32>
      %mul3A_399 = arith.mulf %add3A_398, %get3A_389 : vector<16xf32>
      %add3A_400 = arith.constant 8.83846569 : f32
      %add3A_401 = vector.broadcast %add3A_400 : f32 to vector<16xf32>
      %add3A_402 = arith.addf %mul3A_399, %add3A_401 : vector<16xf32>
      %mul3A_403 = arith.mulf %add3A_402, %get3A_389 : vector<16xf32>
      %add3A_404 = arith.constant -9.683250e+00 : f32
      %add3A_405 = vector.broadcast %add3A_404 : f32 to vector<16xf32>
      %add3A_406 = arith.addf %mul3A_403, %add3A_405 : vector<16xf32>
      %mul3A_407 = arith.mulf %add3A_406, %get3A_389 : vector<16xf32>
      %add3A_408 = arith.constant 6.99645567 : f32
      %add3A_409 = vector.broadcast %add3A_408 : f32 to vector<16xf32>
      %add3A_410 = arith.addf %mul3A_407, %add3A_409 : vector<16xf32>
      %mul3A_411 = arith.mulf %add3A_410, %get3A_389 : vector<16xf32>
      %add3A_412 = arith.constant -2.6248188 : f32
      %add3A_413 = vector.broadcast %add3A_412 : f32 to vector<16xf32>
      %add3A_414 = arith.addf %mul3A_411, %add3A_413 : vector<16xf32>
      %select_n3A_415 = arith.select %gt3A_392, %add3A_414, %broadcast_in_dim3A_54 : vector<16xi1>, vector<16xf32>
      %add3A_416 = arith.addf %scan3A_166, %select_n3A_415 : vector<16xf32>
      %scan3A_417 = arith.constant 1 : i32
      %scan3A_418 = arith.addi %scan3A_158, %scan3A_417 : i32
      %mul3A_419 = arith.constant 16 : i32
      %mul3A_420 = arith.muli %scan3A_418, %mul3A_419 : i32
      %add3A_421 = arith.constant 1024 : i32
      %add3A_422 = arith.addi %add3A_421, %mul3A_420 : i32
      %get3A_423 = arith.constant 0 : i32
      %get3A_424 = arith.index_cast %get3A_423 : i32 to index
      %get3A_425 = arith.index_cast %add3A_422 : i32 to index
      %get3A_426 = tpu.vector_load %arg4[%get3A_424, %get3A_425] {strides = array<i32>} : memref<8x2048xf32, #tpu.memory_space<vmem>>, vector<16xf32>,
      %gt3A_427 = arith.constant 5.000000e-01 : f32
      %gt3A_428 = vector.broadcast %gt3A_427 : f32 to vector<16xf32>
      %gt3A_429 = arith.cmpf ogt, %get3A_426, %gt3A_428 : vector<16xf32>
      %broadcast_in_dim3A_430 = arith.constant 9.632840e-01 : f32
      %broadcast_in_dim3A_431 = vector.broadcast %broadcast_in_dim3A_430 : f32 to vector<16xf32>
      %mul3A_432 = arith.mulf %broadcast_in_dim3A_431, %get3A_426 : vector<16xf32>
      %add3A_433 = arith.constant -4.49012041 : f32
      %add3A_434 = vector.broadcast %add3A_433 : f32 to vector<16xf32>
      %add3A_435 = arith.addf %mul3A_432, %add3A_434 : vector<16xf32>
      %mul3A_436 = arith.mulf %add3A_435, %get3A_426 : vector<16xf32>
      %add3A_437 = arith.constant 8.83846569 : f32
      %add3A_438 = vector.broadcast %add3A_437 : f32 to vector<16xf32>
      %add3A_439 = arith.addf %mul3A_436, %add3A_438 : vector<16xf32>
      %mul3A_440 = arith.mulf %add3A_439, %get3A_426 : vector<16xf32>
      %add3A_441 = arith.constant -9.683250e+00 : f32
      %add3A_442 = vector.broadcast %add3A_441 : f32 to vector<16xf32>
      %add3A_443 = arith.addf %mul3A_440, %add3A_442 : vector<16xf32>
      %mul3A_444 = arith.mulf %add3A_443, %get3A_426 : vector<16xf32>
      %add3A_445 = arith.constant 6.99645567 : f32
      %add3A_446 = vector.broadcast %add3A_445 : f32 to vector<16xf32>
      %add3A_447 = arith.addf %mul3A_444, %add3A_446 : vector<16xf32>
      %mul3A_448 = arith.mulf %add3A_447, %get3A_426 : vector<16xf32>
      %add3A_449 = arith.constant -2.6248188 : f32
      %add3A_450 = vector.broadcast %add3A_449 : f32 to vector<16xf32>
      %add3A_451 = arith.addf %mul3A_448, %add3A_450 : vector<16xf32>
      %select_n3A_452 = arith.select %gt3A_429, %add3A_451, %broadcast_in_dim3A_54 : vector<16xi1>, vector<16xf32>
      %add3A_453 = arith.addf %add3A_199, %select_n3A_452 : vector<16xf32>
      %get3A_454 = arith.constant 1 : i32
      %get3A_455 = arith.index_cast %get3A_454 : i32 to index
      %get3A_456 = arith.index_cast %add3A_422 : i32 to index
      %get3A_457 = tpu.vector_load %arg4[%get3A_455, %get3A_456] {strides = array<i32>} : memref<8x2048xf32, #tpu.memory_space<vmem>>, vector<16xf32>,
      %gt3A_458 = arith.constant 5.000000e-01 : f32
      %gt3A_459 = vector.broadcast %gt3A_458 : f32 to vector<16xf32>
      %gt3A_460 = arith.cmpf ogt, %get3A_457, %gt3A_459 : vector<16xf32>
      %broadcast_in_dim3A_461 = arith.constant 9.632840e-01 : f32
      %broadcast_in_dim3A_462 = vector.broadcast %broadcast_in_dim3A_461 : f32 to vector<16xf32>
      %mul3A_463 = arith.mulf %broadcast_in_dim3A_462, %get3A_457 : vector<16xf32>
      %add3A_464 = arith.constant -4.49012041 : f32
      %add3A_465 = vector.broadcast %add3A_464 : f32 to vector<16xf32>
      %add3A_466 = arith.addf %mul3A_463, %add3A_465 : vector<16xf32>
      %mul3A_467 = arith.mulf %add3A_466, %get3A_457 : vector<16xf32>
      %add3A_468 = arith.constant 8.83846569 : f32
      %add3A_469 = vector.broadcast %add3A_468 : f32 to vector<16xf32>
      %add3A_470 = arith.addf %mul3A_467, %add3A_469 : vector<16xf32>
      %mul3A_471 = arith.mulf %add3A_470, %get3A_457 : vector<16xf32>
      %add3A_472 = arith.constant -9.683250e+00 : f32
      %add3A_473 = vector.broadcast %add3A_472 : f32 to vector<16xf32>
      %add3A_474 = arith.addf %mul3A_471, %add3A_473 : vector<16xf32>
      %mul3A_475 = arith.mulf %add3A_474, %get3A_457 : vector<16xf32>
      %add3A_476 = arith.constant 6.99645567 : f32
      %add3A_477 = vector.broadcast %add3A_476 : f32 to vector<16xf32>
      %add3A_478 = arith.addf %mul3A_475, %add3A_477 : vector<16xf32>
      %mul3A_479 = arith.mulf %add3A_478, %get3A_457 : vector<16xf32>
      %add3A_480 = arith.constant -2.6248188 : f32
      %add3A_481 = vector.broadcast %add3A_480 : f32 to vector<16xf32>
      %add3A_482 = arith.addf %mul3A_479, %add3A_481 : vector<16xf32>
      %select_n3A_483 = arith.select %gt3A_460, %add3A_482, %broadcast_in_dim3A_54 : vector<16xi1>, vector<16xf32>
      %add3A_484 = arith.addf %add3A_230, %select_n3A_483 : vector<16xf32>
      %get3A_485 = arith.constant 2 : i32
      %get3A_486 = arith.index_cast %get3A_485 : i32 to index
      %get3A_487 = arith.index_cast %add3A_422 : i32 to index
      %get3A_488 = tpu.vector_load %arg4[%get3A_486, %get3A_487] {strides = array<i32>} : memref<8x2048xf32, #tpu.memory_space<vmem>>, vector<16xf32>,
      %gt3A_489 = arith.constant 5.000000e-01 : f32
      %gt3A_490 = vector.broadcast %gt3A_489 : f32 to vector<16xf32>
      %gt3A_491 = arith.cmpf ogt, %get3A_488, %gt3A_490 : vector<16xf32>
      %broadcast_in_dim3A_492 = arith.constant 9.632840e-01 : f32
      %broadcast_in_dim3A_493 = vector.broadcast %broadcast_in_dim3A_492 : f32 to vector<16xf32>
      %mul3A_494 = arith.mulf %broadcast_in_dim3A_493, %get3A_488 : vector<16xf32>
      %add3A_495 = arith.constant -4.49012041 : f32
      %add3A_496 = vector.broadcast %add3A_495 : f32 to vector<16xf32>
      %add3A_497 = arith.addf %mul3A_494, %add3A_496 : vector<16xf32>
      %mul3A_498 = arith.mulf %add3A_497, %get3A_488 : vector<16xf32>
      %add3A_499 = arith.constant 8.83846569 : f32
      %add3A_500 = vector.broadcast %add3A_499 : f32 to vector<16xf32>
      %add3A_501 = arith.addf %mul3A_498, %add3A_500 : vector<16xf32>
      %mul3A_502 = arith.mulf %add3A_501, %get3A_488 : vector<16xf32>
      %add3A_503 = arith.constant -9.683250e+00 : f32
      %add3A_504 = vector.broadcast %add3A_503 : f32 to vector<16xf32>
      %add3A_505 = arith.addf %mul3A_502, %add3A_504 : vector<16xf32>
      %mul3A_506 = arith.mulf %add3A_505, %get3A_488 : vector<16xf32>
      %add3A_507 = arith.constant 6.99645567 : f32
      %add3A_508 = vector.broadcast %add3A_507 : f32 to vector<16xf32>
      %add3A_509 = arith.addf %mul3A_506, %add3A_508 : vector<16xf32>
      %mul3A_510 = arith.mulf %add3A_509, %get3A_488 : vector<16xf32>
      %add3A_511 = arith.constant -2.6248188 : f32
      %add3A_512 = vector.broadcast %add3A_511 : f32 to vector<16xf32>
      %add3A_513 = arith.addf %mul3A_510, %add3A_512 : vector<16xf32>
      %select_n3A_514 = arith.select %gt3A_491, %add3A_513, %broadcast_in_dim3A_54 : vector<16xi1>, vector<16xf32>
      %add3A_515 = arith.addf %add3A_261, %select_n3A_514 : vector<16xf32>
      %get3A_516 = arith.constant 3 : i32
      %get3A_517 = arith.index_cast %get3A_516 : i32 to index
      %get3A_518 = arith.index_cast %add3A_422 : i32 to index
      %get3A_519 = tpu.vector_load %arg4[%get3A_517, %get3A_518] {strides = array<i32>} : memref<8x2048xf32, #tpu.memory_space<vmem>>, vector<16xf32>,
      %gt3A_520 = arith.constant 5.000000e-01 : f32
      %gt3A_521 = vector.broadcast %gt3A_520 : f32 to vector<16xf32>
      %gt3A_522 = arith.cmpf ogt, %get3A_519, %gt3A_521 : vector<16xf32>
      %broadcast_in_dim3A_523 = arith.constant 9.632840e-01 : f32
      %broadcast_in_dim3A_524 = vector.broadcast %broadcast_in_dim3A_523 : f32 to vector<16xf32>
      %mul3A_525 = arith.mulf %broadcast_in_dim3A_524, %get3A_519 : vector<16xf32>
      %add3A_526 = arith.constant -4.49012041 : f32
      %add3A_527 = vector.broadcast %add3A_526 : f32 to vector<16xf32>
      %add3A_528 = arith.addf %mul3A_525, %add3A_527 : vector<16xf32>
      %mul3A_529 = arith.mulf %add3A_528, %get3A_519 : vector<16xf32>
      %add3A_530 = arith.constant 8.83846569 : f32
      %add3A_531 = vector.broadcast %add3A_530 : f32 to vector<16xf32>
      %add3A_532 = arith.addf %mul3A_529, %add3A_531 : vector<16xf32>
      %mul3A_533 = arith.mulf %add3A_532, %get3A_519 : vector<16xf32>
      %add3A_534 = arith.constant -9.683250e+00 : f32
      %add3A_535 = vector.broadcast %add3A_534 : f32 to vector<16xf32>
      %add3A_536 = arith.addf %mul3A_533, %add3A_535 : vector<16xf32>
      %mul3A_537 = arith.mulf %add3A_536, %get3A_519 : vector<16xf32>
      %add3A_538 = arith.constant 6.99645567 : f32
      %add3A_539 = vector.broadcast %add3A_538 : f32 to vector<16xf32>
      %add3A_540 = arith.addf %mul3A_537, %add3A_539 : vector<16xf32>
      %mul3A_541 = arith.mulf %add3A_540, %get3A_519 : vector<16xf32>
      %add3A_542 = arith.constant -2.6248188 : f32
      %add3A_543 = vector.broadcast %add3A_542 : f32 to vector<16xf32>
      %add3A_544 = arith.addf %mul3A_541, %add3A_543 : vector<16xf32>
      %select_n3A_545 = arith.select %gt3A_522, %add3A_544, %broadcast_in_dim3A_54 : vector<16xi1>, vector<16xf32>
      %add3A_546 = arith.addf %add3A_292, %select_n3A_545 : vector<16xf32>
      %get3A_547 = arith.constant 4 : i32
      %get3A_548 = arith.index_cast %get3A_547 : i32 to index
      %get3A_549 = arith.index_cast %add3A_422 : i32 to index
      %get3A_550 = tpu.vector_load %arg4[%get3A_548, %get3A_549] {strides = array<i32>} : memref<8x2048xf32, #tpu.memory_space<vmem>>, vector<16xf32>,
      %gt3A_551 = arith.constant 5.000000e-01 : f32
      %gt3A_552 = vector.broadcast %gt3A_551 : f32 to vector<16xf32>
      %gt3A_553 = arith.cmpf ogt, %get3A_550, %gt3A_552 : vector<16xf32>
      %broadcast_in_dim3A_554 = arith.constant 9.632840e-01 : f32
      %broadcast_in_dim3A_555 = vector.broadcast %broadcast_in_dim3A_554 : f32 to vector<16xf32>
      %mul3A_556 = arith.mulf %broadcast_in_dim3A_555, %get3A_550 : vector<16xf32>
      %add3A_557 = arith.constant -4.49012041 : f32
      %add3A_558 = vector.broadcast %add3A_557 : f32 to vector<16xf32>
      %add3A_559 = arith.addf %mul3A_556, %add3A_558 : vector<16xf32>
      %mul3A_560 = arith.mulf %add3A_559, %get3A_550 : vector<16xf32>
      %add3A_561 = arith.constant 8.83846569 : f32
      %add3A_562 = vector.broadcast %add3A_561 : f32 to vector<16xf32>
      %add3A_563 = arith.addf %mul3A_560, %add3A_562 : vector<16xf32>
      %mul3A_564 = arith.mulf %add3A_563, %get3A_550 : vector<16xf32>
      %add3A_565 = arith.constant -9.683250e+00 : f32
      %add3A_566 = vector.broadcast %add3A_565 : f32 to vector<16xf32>
      %add3A_567 = arith.addf %mul3A_564, %add3A_566 : vector<16xf32>
      %mul3A_568 = arith.mulf %add3A_567, %get3A_550 : vector<16xf32>
      %add3A_569 = arith.constant 6.99645567 : f32
      %add3A_570 = vector.broadcast %add3A_569 : f32 to vector<16xf32>
      %add3A_571 = arith.addf %mul3A_568, %add3A_570 : vector<16xf32>
      %mul3A_572 = arith.mulf %add3A_571, %get3A_550 : vector<16xf32>
      %add3A_573 = arith.constant -2.6248188 : f32
      %add3A_574 = vector.broadcast %add3A_573 : f32 to vector<16xf32>
      %add3A_575 = arith.addf %mul3A_572, %add3A_574 : vector<16xf32>
      %select_n3A_576 = arith.select %gt3A_553, %add3A_575, %broadcast_in_dim3A_54 : vector<16xi1>, vector<16xf32>
      %add3A_577 = arith.addf %add3A_323, %select_n3A_576 : vector<16xf32>
      %get3A_578 = arith.constant 5 : i32
      %get3A_579 = arith.index_cast %get3A_578 : i32 to index
      %get3A_580 = arith.index_cast %add3A_422 : i32 to index
      %get3A_581 = tpu.vector_load %arg4[%get3A_579, %get3A_580] {strides = array<i32>} : memref<8x2048xf32, #tpu.memory_space<vmem>>, vector<16xf32>,
      %gt3A_582 = arith.constant 5.000000e-01 : f32
      %gt3A_583 = vector.broadcast %gt3A_582 : f32 to vector<16xf32>
      %gt3A_584 = arith.cmpf ogt, %get3A_581, %gt3A_583 : vector<16xf32>
      %broadcast_in_dim3A_585 = arith.constant 9.632840e-01 : f32
      %broadcast_in_dim3A_586 = vector.broadcast %broadcast_in_dim3A_585 : f32 to vector<16xf32>
      %mul3A_587 = arith.mulf %broadcast_in_dim3A_586, %get3A_581 : vector<16xf32>
      %add3A_588 = arith.constant -4.49012041 : f32
      %add3A_589 = vector.broadcast %add3A_588 : f32 to vector<16xf32>
      %add3A_590 = arith.addf %mul3A_587, %add3A_589 : vector<16xf32>
      %mul3A_591 = arith.mulf %add3A_590, %get3A_581 : vector<16xf32>
      %add3A_592 = arith.constant 8.83846569 : f32
      %add3A_593 = vector.broadcast %add3A_592 : f32 to vector<16xf32>
      %add3A_594 = arith.addf %mul3A_591, %add3A_593 : vector<16xf32>
      %mul3A_595 = arith.mulf %add3A_594, %get3A_581 : vector<16xf32>
      %add3A_596 = arith.constant -9.683250e+00 : f32
      %add3A_597 = vector.broadcast %add3A_596 : f32 to vector<16xf32>
      %add3A_598 = arith.addf %mul3A_595, %add3A_597 : vector<16xf32>
      %mul3A_599 = arith.mulf %add3A_598, %get3A_581 : vector<16xf32>
      %add3A_600 = arith.constant 6.99645567 : f32
      %add3A_601 = vector.broadcast %add3A_600 : f32 to vector<16xf32>
      %add3A_602 = arith.addf %mul3A_599, %add3A_601 : vector<16xf32>
      %mul3A_603 = arith.mulf %add3A_602, %get3A_581 : vector<16xf32>
      %add3A_604 = arith.constant -2.6248188 : f32
      %add3A_605 = vector.broadcast %add3A_604 : f32 to vector<16xf32>
      %add3A_606 = arith.addf %mul3A_603, %add3A_605 : vector<16xf32>
      %select_n3A_607 = arith.select %gt3A_584, %add3A_606, %broadcast_in_dim3A_54 : vector<16xi1>, vector<16xf32>
      %add3A_608 = arith.addf %add3A_354, %select_n3A_607 : vector<16xf32>
      %get3A_609 = arith.constant 6 : i32
      %get3A_610 = arith.index_cast %get3A_609 : i32 to index
      %get3A_611 = arith.index_cast %add3A_422 : i32 to index
      %get3A_612 = tpu.vector_load %arg4[%get3A_610, %get3A_611] {strides = array<i32>} : memref<8x2048xf32, #tpu.memory_space<vmem>>, vector<16xf32>,
      %gt3A_613 = arith.constant 5.000000e-01 : f32
      %gt3A_614 = vector.broadcast %gt3A_613 : f32 to vector<16xf32>
      %gt3A_615 = arith.cmpf ogt, %get3A_612, %gt3A_614 : vector<16xf32>
      %broadcast_in_dim3A_616 = arith.constant 9.632840e-01 : f32
      %broadcast_in_dim3A_617 = vector.broadcast %broadcast_in_dim3A_616 : f32 to vector<16xf32>
      %mul3A_618 = arith.mulf %broadcast_in_dim3A_617, %get3A_612 : vector<16xf32>
      %add3A_619 = arith.constant -4.49012041 : f32
      %add3A_620 = vector.broadcast %add3A_619 : f32 to vector<16xf32>
      %add3A_621 = arith.addf %mul3A_618, %add3A_620 : vector<16xf32>
      %mul3A_622 = arith.mulf %add3A_621, %get3A_612 : vector<16xf32>
      %add3A_623 = arith.constant 8.83846569 : f32
      %add3A_624 = vector.broadcast %add3A_623 : f32 to vector<16xf32>
      %add3A_625 = arith.addf %mul3A_622, %add3A_624 : vector<16xf32>
      %mul3A_626 = arith.mulf %add3A_625, %get3A_612 : vector<16xf32>
      %add3A_627 = arith.constant -9.683250e+00 : f32
      %add3A_628 = vector.broadcast %add3A_627 : f32 to vector<16xf32>
      %add3A_629 = arith.addf %mul3A_626, %add3A_628 : vector<16xf32>
      %mul3A_630 = arith.mulf %add3A_629, %get3A_612 : vector<16xf32>
      %add3A_631 = arith.constant 6.99645567 : f32
      %add3A_632 = vector.broadcast %add3A_631 : f32 to vector<16xf32>
      %add3A_633 = arith.addf %mul3A_630, %add3A_632 : vector<16xf32>
      %mul3A_634 = arith.mulf %add3A_633, %get3A_612 : vector<16xf32>
      %add3A_635 = arith.constant -2.6248188 : f32
      %add3A_636 = vector.broadcast %add3A_635 : f32 to vector<16xf32>
      %add3A_637 = arith.addf %mul3A_634, %add3A_636 : vector<16xf32>
      %select_n3A_638 = arith.select %gt3A_615, %add3A_637, %broadcast_in_dim3A_54 : vector<16xi1>, vector<16xf32>
      %add3A_639 = arith.addf %add3A_385, %select_n3A_638 : vector<16xf32>
      %get3A_640 = arith.constant 7 : i32
      %get3A_641 = arith.index_cast %get3A_640 : i32 to index
      %get3A_642 = arith.index_cast %add3A_422 : i32 to index
      %get3A_643 = tpu.vector_load %arg4[%get3A_641, %get3A_642] {strides = array<i32>} : memref<8x2048xf32, #tpu.memory_space<vmem>>, vector<16xf32>,
      %gt3A_644 = arith.constant 5.000000e-01 : f32
      %gt3A_645 = vector.broadcast %gt3A_644 : f32 to vector<16xf32>
      %gt3A_646 = arith.cmpf ogt, %get3A_643, %gt3A_645 : vector<16xf32>
      %broadcast_in_dim3A_647 = arith.constant 9.632840e-01 : f32
      %broadcast_in_dim3A_648 = vector.broadcast %broadcast_in_dim3A_647 : f32 to vector<16xf32>
      %mul3A_649 = arith.mulf %broadcast_in_dim3A_648, %get3A_643 : vector<16xf32>
      %add3A_650 = arith.constant -4.49012041 : f32
      %add3A_651 = vector.broadcast %add3A_650 : f32 to vector<16xf32>
      %add3A_652 = arith.addf %mul3A_649, %add3A_651 : vector<16xf32>
      %mul3A_653 = arith.mulf %add3A_652, %get3A_643 : vector<16xf32>
      %add3A_654 = arith.constant 8.83846569 : f32
      %add3A_655 = vector.broadcast %add3A_654 : f32 to vector<16xf32>
      %add3A_656 = arith.addf %mul3A_653, %add3A_655 : vector<16xf32>
      %mul3A_657 = arith.mulf %add3A_656, %get3A_643 : vector<16xf32>
      %add3A_658 = arith.constant -9.683250e+00 : f32
      %add3A_659 = vector.broadcast %add3A_658 : f32 to vector<16xf32>
      %add3A_660 = arith.addf %mul3A_657, %add3A_659 : vector<16xf32>
      %mul3A_661 = arith.mulf %add3A_660, %get3A_643 : vector<16xf32>
      %add3A_662 = arith.constant 6.99645567 : f32
      %add3A_663 = vector.broadcast %add3A_662 : f32 to vector<16xf32>
      %add3A_664 = arith.addf %mul3A_661, %add3A_663 : vector<16xf32>
      %mul3A_665 = arith.mulf %add3A_664, %get3A_643 : vector<16xf32>
      %add3A_666 = arith.constant -2.6248188 : f32
      %add3A_667 = vector.broadcast %add3A_666 : f32 to vector<16xf32>
      %add3A_668 = arith.addf %mul3A_665, %add3A_667 : vector<16xf32>
      %select_n3A_669 = arith.select %gt3A_646, %add3A_668, %broadcast_in_dim3A_54 : vector<16xi1>, vector<16xf32>
      %add3A_670 = arith.addf %add3A_416, %select_n3A_669 : vector<16xf32>
      scf.yield %add3A_453, %add3A_484, %add3A_515, %add3A_546, %add3A_577, %add3A_608, %add3A_639, %add3A_670 : vector<16xf32>, vector<16xf32>, vector<16xf32>, vector<16xf32>, vector<16xf32>, vector<16xf32>, vector<16xf32>, vector<16xf32>
    }
    %scan3A_80 = arith.constant 64 : i32
    %eq3A_81 = arith.constant 0 : i32
    %eq3A_82 = vector.broadcast %eq3A_81 : i32 to vector<16xi32>
    %eq3A_83 = arith.cmpi eq, %iota3A, %eq3A_82 : vector<16xi32>
    %reduce_sum3A = arith.constant true
    %reduce_sum3A_84 = vector.broadcast %reduce_sum3A : i1 to vector<16xi1>
    %reduce_sum3A_85 = tpu.scan <sum>, %scan3A_79#0 masked %reduce_sum3A_84 : vector<16xf32>, vector<16xi1> -> vector<16xf32>
    %reduce_sum3A_86 = vector.extract %reduce_sum3A_85[15] : f32 from vector<16xf32>
    %broadcast_in_dim3A_87 = vector.broadcast %reduce_sum3A_86 : f32 to vector<16xf32>
    %select_n3A_88 = arith.select %eq3A_83, %broadcast_in_dim3A_87, %broadcast_in_dim3A_54 : vector<16xi1>, vector<16xf32>
    %eq3A_89 = arith.constant 1 : i32
    %eq3A_90 = vector.broadcast %eq3A_89 : i32 to vector<16xi32>
    %eq3A_91 = arith.cmpi eq, %iota3A, %eq3A_90 : vector<16xi32>
    %reduce_sum3A_92 = arith.constant true
    %reduce_sum3A_93 = vector.broadcast %reduce_sum3A_92 : i1 to vector<16xi1>
    %reduce_sum3A_94 = tpu.scan <sum>, %scan3A_79#1 masked %reduce_sum3A_93 : vector<16xf32>, vector<16xi1> -> vector<16xf32>
    %reduce_sum3A_95 = vector.extract %reduce_sum3A_94[15] : f32 from vector<16xf32>
    %broadcast_in_dim3A_96 = vector.broadcast %reduce_sum3A_95 : f32 to vector<16xf32>
    %select_n3A_97 = arith.select %eq3A_91, %broadcast_in_dim3A_96, %select_n3A_88 : vector<16xi1>, vector<16xf32>
    %eq3A_98 = arith.constant 2 : i32
    %eq3A_99 = vector.broadcast %eq3A_98 : i32 to vector<16xi32>
    %eq3A_100 = arith.cmpi eq, %iota3A, %eq3A_99 : vector<16xi32>
    %reduce_sum3A_101 = arith.constant true
    %reduce_sum3A_102 = vector.broadcast %reduce_sum3A_101 : i1 to vector<16xi1>
    %reduce_sum3A_103 = tpu.scan <sum>, %scan3A_79#2 masked %reduce_sum3A_102 : vector<16xf32>, vector<16xi1> -> vector<16xf32>
    %reduce_sum3A_104 = vector.extract %reduce_sum3A_103[15] : f32 from vector<16xf32>
    %broadcast_in_dim3A_105 = vector.broadcast %reduce_sum3A_104 : f32 to vector<16xf32>
    %select_n3A_106 = arith.select %eq3A_100, %broadcast_in_dim3A_105, %select_n3A_97 : vector<16xi1>, vector<16xf32>
    %eq3A_107 = arith.constant 3 : i32
    %eq3A_108 = vector.broadcast %eq3A_107 : i32 to vector<16xi32>
    %eq3A_109 = arith.cmpi eq, %iota3A, %eq3A_108 : vector<16xi32>
    %reduce_sum3A_110 = arith.constant true
    %reduce_sum3A_111 = vector.broadcast %reduce_sum3A_110 : i1 to vector<16xi1>
    %reduce_sum3A_112 = tpu.scan <sum>, %scan3A_79#3 masked %reduce_sum3A_111 : vector<16xf32>, vector<16xi1> -> vector<16xf32>
    %reduce_sum3A_113 = vector.extract %reduce_sum3A_112[15] : f32 from vector<16xf32>
    %broadcast_in_dim3A_114 = vector.broadcast %reduce_sum3A_113 : f32 to vector<16xf32>
    %select_n3A_115 = arith.select %eq3A_109, %broadcast_in_dim3A_114, %select_n3A_106 : vector<16xi1>, vector<16xf32>
    %eq3A_116 = arith.constant 4 : i32
    %eq3A_117 = vector.broadcast %eq3A_116 : i32 to vector<16xi32>
    %eq3A_118 = arith.cmpi eq, %iota3A, %eq3A_117 : vector<16xi32>
    %reduce_sum3A_119 = arith.constant true
    %reduce_sum3A_120 = vector.broadcast %reduce_sum3A_119 : i1 to vector<16xi1>
    %reduce_sum3A_121 = tpu.scan <sum>, %scan3A_79#4 masked %reduce_sum3A_120 : vector<16xf32>, vector<16xi1> -> vector<16xf32>
    %reduce_sum3A_122 = vector.extract %reduce_sum3A_121[15] : f32 from vector<16xf32>
    %broadcast_in_dim3A_123 = vector.broadcast %reduce_sum3A_122 : f32 to vector<16xf32>
    %select_n3A_124 = arith.select %eq3A_118, %broadcast_in_dim3A_123, %select_n3A_115 : vector<16xi1>, vector<16xf32>
    %eq3A_125 = arith.constant 5 : i32
    %eq3A_126 = vector.broadcast %eq3A_125 : i32 to vector<16xi32>
    %eq3A_127 = arith.cmpi eq, %iota3A, %eq3A_126 : vector<16xi32>
    %reduce_sum3A_128 = arith.constant true
    %reduce_sum3A_129 = vector.broadcast %reduce_sum3A_128 : i1 to vector<16xi1>
    %reduce_sum3A_130 = tpu.scan <sum>, %scan3A_79#5 masked %reduce_sum3A_129 : vector<16xf32>, vector<16xi1> -> vector<16xf32>
    %reduce_sum3A_131 = vector.extract %reduce_sum3A_130[15] : f32 from vector<16xf32>
    %broadcast_in_dim3A_132 = vector.broadcast %reduce_sum3A_131 : f32 to vector<16xf32>
    %select_n3A_133 = arith.select %eq3A_127, %broadcast_in_dim3A_132, %select_n3A_124 : vector<16xi1>, vector<16xf32>
    %eq3A_134 = arith.constant 6 : i32
    %eq3A_135 = vector.broadcast %eq3A_134 : i32 to vector<16xi32>
    %eq3A_136 = arith.cmpi eq, %iota3A, %eq3A_135 : vector<16xi32>
    %reduce_sum3A_137 = arith.constant true
    %reduce_sum3A_138 = vector.broadcast %reduce_sum3A_137 : i1 to vector<16xi1>
    %reduce_sum3A_139 = tpu.scan <sum>, %scan3A_79#6 masked %reduce_sum3A_138 : vector<16xf32>, vector<16xi1> -> vector<16xf32>
    %reduce_sum3A_140 = vector.extract %reduce_sum3A_139[15] : f32 from vector<16xf32>
    %broadcast_in_dim3A_141 = vector.broadcast %reduce_sum3A_140 : f32 to vector<16xf32>
    %select_n3A_142 = arith.select %eq3A_136, %broadcast_in_dim3A_141, %select_n3A_133 : vector<16xi1>, vector<16xf32>
    %eq3A_143 = arith.constant 7 : i32
    %eq3A_144 = vector.broadcast %eq3A_143 : i32 to vector<16xi32>
    %eq3A_145 = arith.cmpi eq, %iota3A, %eq3A_144 : vector<16xi32>
    %reduce_sum3A_146 = arith.constant true
    %reduce_sum3A_147 = vector.broadcast %reduce_sum3A_146 : i1 to vector<16xi1>
    %reduce_sum3A_148 = tpu.scan <sum>, %scan3A_79#7 masked %reduce_sum3A_147 : vector<16xf32>, vector<16xi1> -> vector<16xf32>
    %reduce_sum3A_149 = vector.extract %reduce_sum3A_148[15] : f32 from vector<16xf32>
    %broadcast_in_dim3A_150 = vector.broadcast %reduce_sum3A_149 : f32 to vector<16xf32>
    %select_n3A_151 = arith.select %eq3A_145, %broadcast_in_dim3A_150, %select_n3A_142 : vector<16xi1>, vector<16xf32>
    %swap3A = arith.constant 0 : index
    %swap3A_152 = tpu.vector_load %arg5[%swap3A] {strides = array<i32>} : memref<16xf32, #tpu.memory_space<vmem>>, vector<16xf32>,
    tpu.vector_store %arg5[%swap3A], %select_n3A_151 {strides = array<i32>} : memref<16xf32, #tpu.memory_space<vmem>>, vector<16xf32>,
    %add3A_153 = arith.constant 16 : i32
    %add3A_154 = arith.addi %arg1, %add3A_153 : i32
    "tpu.region"() ({
      %run_scoped3A = tpu.sem_alloc : memref<!tpu.dma_semaphore, #tpu.memory_space<semaphore_mem>>
      %dma_start3A_158 = arith.constant 0 : i32
      %dma_start3A_159 = tpu.memref_slice %arg7[%add3A_154, %dma_start3A_158] : memref<32x16xf32, #tpu.memory_space<vmem_shared>> -> memref<1x16xf32, #tpu.memory_space<vmem_shared>>
      %dma_start3A_160 = tpu.memref_squeeze %dma_start3A_159 : memref<1x16xf32, #tpu.memory_space<vmem_shared>> -> memref<16xf32, #tpu.memory_space<vmem_shared>>
      %dma_start3A_161 = arith.constant 0 : i32
      %dma_start3A_162 = tpu.memref_slice %arg7[%add3A_154, %dma_start3A_161] : memref<32x16xf32, #tpu.memory_space<vmem_shared>> -> memref<1x16xf32, #tpu.memory_space<vmem_shared>>
      %dma_start3A_163 = tpu.memref_squeeze %dma_start3A_162 : memref<1x16xf32, #tpu.memory_space<vmem_shared>> -> memref<16xf32, #tpu.memory_space<vmem_shared>>
      tpu.enqueue_dma source(%arg5 : memref<16xf32, #tpu.memory_space<vmem>>) target(%dma_start3A_163 : memref<16xf32, #tpu.memory_space<vmem_shared>>) target_semaphore(%run_scoped3A : memref<!tpu.dma_semaphore, #tpu.memory_space<semaphore_mem>>)
      %dma_wait3A_164 = arith.constant 0 : i32
      %dma_wait3A_165 = tpu.memref_slice %arg7[%add3A_154, %dma_wait3A_164] : memref<32x16xf32, #tpu.memory_space<vmem_shared>> -> memref<1x16xf32, #tpu.memory_space<vmem_shared>>
      %dma_wait3A_166 = tpu.memref_squeeze %dma_wait3A_165 : memref<1x16xf32, #tpu.memory_space<vmem_shared>> -> memref<16xf32, #tpu.memory_space<vmem_shared>>
      %dma_wait3A_167 = arith.constant 0 : i32
      %dma_wait3A_168 = tpu.memref_slice %arg7[%add3A_154, %dma_wait3A_167] : memref<32x16xf32, #tpu.memory_space<vmem_shared>> -> memref<1x16xf32, #tpu.memory_space<vmem_shared>>
      %dma_wait3A_169 = tpu.memref_squeeze %dma_wait3A_168 : memref<1x16xf32, #tpu.memory_space<vmem_shared>> -> memref<16xf32, #tpu.memory_space<vmem_shared>>
      tpu.wait_dma2 semaphore(%run_scoped3A : memref<!tpu.dma_semaphore, #tpu.memory_space<semaphore_mem>>) src(%arg5 : memref<16xf32, #tpu.memory_space<vmem>>) dst(%dma_wait3A_169 : memref<16xf32, #tpu.memory_space<vmem_shared>>)
      tpu.yield
    }) : () -> ()
    %barrier3A = arith.constant 0 : index
    tpu.barrier barrier_id(%barrier3A)
    %eq3A_155 = arith.constant 0 : i32
    %eq3A_156 = arith.cmpi eq, %select_n3A_30, %eq3A_155 : i32
    %convert_element_type3A = arith.extui %eq3A_156 : i1 to i32
    %cond3A = arith.constant 0 : i32
    %cond3A_157 = arith.cmpi ne, %convert_element_type3A, %cond3A : i32
    scf.if %cond3A_157 {
      %add3A_158 = arith.constant 16 : i32
      %add3A_159 = arith.addi %arg1, %add3A_158 : i32
      "tpu.region"() ({
        %run_scoped3A = tpu.sem_alloc : memref<!tpu.dma_semaphore, #tpu.memory_space<semaphore_mem>>
        %dma_start3A_180 = arith.constant 0 : i32
        %dma_start3A_181 = tpu.memref_slice %arg7[%add3A_159, %dma_start3A_180] : memref<32x16xf32, #tpu.memory_space<vmem_shared>> -> memref<4x16xf32, #tpu.memory_space<vmem_shared>>
        %dma_start3A_182 = arith.constant 0 : i32
        %dma_start3A_183 = tpu.memref_slice %arg7[%add3A_159, %dma_start3A_182] : memref<32x16xf32, #tpu.memory_space<vmem_shared>> -> memref<4x16xf32, #tpu.memory_space<vmem_shared>>
        tpu.enqueue_dma source(%dma_start3A_183 : memref<4x16xf32, #tpu.memory_space<vmem_shared>>) target(%arg6 : memref<4x16xf32, #tpu.memory_space<vmem>>) target_semaphore(%run_scoped3A : memref<!tpu.dma_semaphore, #tpu.memory_space<semaphore_mem>>)
        %dma_wait3A_184 = arith.constant 0 : i32
        %dma_wait3A_185 = tpu.memref_slice %arg7[%add3A_159, %dma_wait3A_184] : memref<32x16xf32, #tpu.memory_space<vmem_shared>> -> memref<4x16xf32, #tpu.memory_space<vmem_shared>>
        %dma_wait3A_186 = arith.constant 0 : i32
        %dma_wait3A_187 = tpu.memref_slice %arg7[%add3A_159, %dma_wait3A_186] : memref<32x16xf32, #tpu.memory_space<vmem_shared>> -> memref<4x16xf32, #tpu.memory_space<vmem_shared>>
        tpu.wait_dma2 semaphore(%run_scoped3A : memref<!tpu.dma_semaphore, #tpu.memory_space<semaphore_mem>>) src(%dma_wait3A_187 : memref<4x16xf32, #tpu.memory_space<vmem_shared>>) dst(%arg6 : memref<4x16xf32, #tpu.memory_space<vmem>>)
        tpu.yield
      }) : () -> ()
      %get3A = arith.constant 0 : i32
      %get3A_160 = arith.index_cast %get3A : i32 to index
      %get3A_161 = arith.constant 0 : index
      %get3A_162 = tpu.vector_load %arg6[%get3A_160, %get3A_161] {strides = array<i32>} : memref<4x16xf32, #tpu.memory_space<vmem>>, vector<16xf32>,
      %get3A_163 = arith.constant 1 : i32
      %get3A_164 = arith.index_cast %get3A_163 : i32 to index
      %get3A_165 = arith.constant 0 : index
      %get3A_166 = tpu.vector_load %arg6[%get3A_164, %get3A_165] {strides = array<i32>} : memref<4x16xf32, #tpu.memory_space<vmem>>, vector<16xf32>,
      %add3A_167 = arith.addf %get3A_162, %get3A_166 : vector<16xf32>
      %get3A_168 = arith.constant 2 : i32
      %get3A_169 = arith.index_cast %get3A_168 : i32 to index
      %get3A_170 = arith.constant 0 : index
      %get3A_171 = tpu.vector_load %arg6[%get3A_169, %get3A_170] {strides = array<i32>} : memref<4x16xf32, #tpu.memory_space<vmem>>, vector<16xf32>,
      %get3A_172 = arith.constant 3 : i32
      %get3A_173 = arith.index_cast %get3A_172 : i32 to index
      %get3A_174 = arith.constant 0 : index
      %get3A_175 = tpu.vector_load %arg6[%get3A_173, %get3A_174] {strides = array<i32>} : memref<4x16xf32, #tpu.memory_space<vmem>>, vector<16xf32>,
      %add3A_176 = arith.addf %get3A_171, %get3A_175 : vector<16xf32>
      %add3A_177 = arith.addf %add3A_167, %add3A_176 : vector<16xf32>
      %swap3A_178 = arith.constant 0 : index
      %swap3A_179 = tpu.vector_load %arg5[%swap3A_178] {strides = array<i32>} : memref<16xf32, #tpu.memory_space<vmem>>, vector<16xf32>,
      tpu.vector_store %arg5[%swap3A_178], %add3A_177 {strides = array<i32>} : memref<16xf32, #tpu.memory_space<vmem>>, vector<16xf32>,
      "tpu.region"() ({
        %run_scoped3A = tpu.sem_alloc : memref<!tpu.dma_semaphore, #tpu.memory_space<semaphore_mem>>
        %dma_start3A_180 = arith.constant 0 : i32
        %dma_start3A_181 = tpu.memref_slice %arg5[%dma_start3A_180] : memref<16xf32, #tpu.memory_space<vmem>> -> memref<8xf32, #tpu.memory_space<vmem>>
        %dma_start3A_182 = tpu.memref_slice %arg3[%mul3A_32] : memref<64xf32, #tpu.memory_space<hbm>> -> memref<8xf32, #tpu.memory_space<hbm>>
        %dma_start3A_183 = tpu.memref_slice %arg3[%mul3A_32] : memref<64xf32, #tpu.memory_space<hbm>> -> memref<8xf32, #tpu.memory_space<hbm>>
        %dma_start3A_184 = arith.constant 0 : i32
        %dma_start3A_185 = tpu.memref_slice %arg5[%dma_start3A_184] : memref<16xf32, #tpu.memory_space<vmem>> -> memref<8xf32, #tpu.memory_space<vmem>>
        tpu.enqueue_dma source(%dma_start3A_185 : memref<8xf32, #tpu.memory_space<vmem>>) target(%dma_start3A_183 : memref<8xf32, #tpu.memory_space<hbm>>) target_semaphore(%run_scoped3A : memref<!tpu.dma_semaphore, #tpu.memory_space<semaphore_mem>>)
        %dma_wait3A_186 = arith.constant 0 : i32
        %dma_wait3A_187 = tpu.memref_slice %arg5[%dma_wait3A_186] : memref<16xf32, #tpu.memory_space<vmem>> -> memref<8xf32, #tpu.memory_space<vmem>>
        %dma_wait3A_188 = tpu.memref_slice %arg3[%mul3A_32] : memref<64xf32, #tpu.memory_space<hbm>> -> memref<8xf32, #tpu.memory_space<hbm>>
        %dma_wait3A_189 = tpu.memref_slice %arg3[%mul3A_32] : memref<64xf32, #tpu.memory_space<hbm>> -> memref<8xf32, #tpu.memory_space<hbm>>
        %dma_wait3A_190 = arith.constant 0 : i32
        %dma_wait3A_191 = tpu.memref_slice %arg5[%dma_wait3A_190] : memref<16xf32, #tpu.memory_space<vmem>> -> memref<8xf32, #tpu.memory_space<vmem>>
        tpu.wait_dma2 semaphore(%run_scoped3A : memref<!tpu.dma_semaphore, #tpu.memory_space<semaphore_mem>>) src(%dma_wait3A_191 : memref<8xf32, #tpu.memory_space<vmem>>) dst(%dma_wait3A_189 : memref<8xf32, #tpu.memory_space<hbm>>)
        tpu.yield
      }) : () -> ()
    } else {
    }
    return
  }
}

module attributes {stable_mosaic.version = 14 : i64} {
  func.func @_tc_mask_body(%arg0: i32, %arg1: memref<64x2048xf32, #tpu.memory_space<vmem>>, %arg2: memref<64x2048xi8, #tpu.memory_space<vmem>>) attributes {dimension_semantics = [#tpu.dimension_semantics<arbitrary>], iteration_bounds = array<i64: 4>, scalar_prefetch = 0 : i64, scratch_operands = 0 : i64, tpu.core_type = #tpu.core_type<tc>, window_params = [{transform_indices = @transform_0, window_bounds = array<i64: 64, 2048>}, {transform_indices = @transform_1, window_bounds = array<i64: 64, 2048>}]} {
    %get3A = arith.constant 0 : index
    %get3A_0 = arith.constant 0 : index
    %get3A_1 = vector.load %arg1[%get3A, %get3A_0] : memref<64x2048xf32, #tpu.memory_space<vmem>>, vector<64x2048xf32>
    %gt3A = arith.constant 5.000000e-01 : f32
    %gt3A_2 = vector.broadcast %gt3A : f32 to vector<64x2048xf32>
    %gt3A_3 = arith.cmpf ogt, %get3A_1, %gt3A_2 : vector<64x2048xf32>
    %convert_element_type3A = arith.extui %gt3A_3 : vector<64x2048xi1> to vector<64x2048xi8>
    %swap3A = arith.constant 0 : index
    %swap3A_4 = arith.constant 0 : index
    %swap3A_5 = vector.load %arg2[%swap3A, %swap3A_4] : memref<64x2048xi8, #tpu.memory_space<vmem>>, vector<64x2048xi8>
    tpu.vector_store %arg2[%swap3A, %swap3A_4], %convert_element_type3A {strides = array<i32>} : memref<64x2048xi8, #tpu.memory_space<vmem>>, vector<64x2048xi8>,
    return
  }
  func.func @transform_0(%arg0: i32) -> (i32, i32) {
    %c0_i32 = arith.constant 0 : i32
    %c0_i32_0 = arith.constant 0 : i32
    return %c0_i32, %arg0 : i32, i32
  }
  func.func @transform_1(%arg0: i32) -> (i32, i32) {
    %c0_i32 = arith.constant 0 : i32
    %c0_i32_0 = arith.constant 0 : i32
    return %c0_i32, %arg0 : i32, i32
  }
}

</mosaic_0001>

<sc_bundles>
// kernel: kernel.4.cloned.1.call-start
scs
__scs_entry_jumppad:
0x0: {  	(pc) =	sbr.rel $0x88, $3  }
0x1: {  	(tag) =	ssettag $0x0;
	lr =	simm.s32 $0x1  }
0x2: {  	[smem:$0x3FA0] =	sst lr;
	_ =	strace $0xD0000000  }
0x3: {  	_ = 	snop  }
0x4: {  	_ = 	snop  }
0x5: {  	_ = 	snop  }
0x6: {  	_ = 	snop  }
0x7: {  	_ = 	snop  }
__scs_overlays_trampoline_lowered:
0x8: {  	[smem:$0x3FAF] =	sst s0  }
0x9: {  	[smem:$0x3FB0] =	sst s1  }
0xa: {  	[smem:$0x3FB1] =	sst s2  }
0xb: {  	[smem:$0x3FB2] =	sst s3  }
0xc: {  	[smem:$0x3FB3] =	sst s4  }
0xd: {  	[smem:$0x3FB4] =	sst s5  }
0xe: {  	[smem:$0x3FB5] =	sst s6  }
0xf: {  	[smem:$0x3FB6] =	sst s7  }
0x10: {  	[smem:$0x3FB7] =	sst s8  }
0x11: {  	[smem:$0x3FB8] =	sst s9;
	s0 =	simm.s32 @!p0 $0x0  }
0x12: {  	s1 =	sld [smem:$0x3F9E];
	s0 =	simm.s32 @p0 $0x1  }
0x13: {  	[smem:$0x3FB9] =	sst s0;
	s0 =	simm.s32 @!p1 $0x0  }
0x14: {  	s2 =	sld [smem:$0x3F9D];
	s0 =	simm.s32 @p1 $0x1  }
0x15: {  	[smem:$0x3FBA] =	sst s0;
	s0 =	simm.s32 @!p2 $0x0  }
0x16: {  	s3 =	sld [smem:$0x3FDB];
	s0 =	simm.s32 @p2 $0x1  }
0x17: {  	s4 =	simm.s32 $0x1BF5;
	[smem:$0x3FBC] =	sst s0  }
0x18: {  	s0 =	sld [smem:$0x3F9F];
	_ =	swait.ge [sflag:s4], $0x0  }
0x19: {  	s7 =	sld [smem:$0x3FA0]  }
0x1a: {  	s8 =	sadd.s32 $0xFFFFE003, lr  }
0x1b: {  	s9 =	sadd.s32 $0xFFFFFEF7, lr;
	s5 =	simm.s32 $0xFFFFFFFF;
	p2 =	slt.u32 s8, $0xFFFFF086  }
0x1c: {  	p1 =	slt.u32 s9, $0xF7A;
	s5 =	simm.s32 @!p2 $0x0  }
0x1d: {  	s5 =	simm.s32 @p1 $0x1;
	p0 =	seq.s32 s7, s2  }
0x1e: {  	s7 =	smul.u32 @!p0 $0xF7A, s2;
	p2 =	seq.s32 @!p0 s5, $0x0  }
0x1f: {  	s9 =	smul.u32 $0xF7A, s1;
	s8 =	simm.s32 @!p0 $0x1BF5;
	p2 =	por !p2, p0  }
0x20: {  	[sflag:s8] =	ssyncset.s32 @!p0 $0xFFFFF086;
	s6 =	sadd.s32 @!p0 s3, s7;
	s7 =	simm.s32 @!p0 $0x108  }
0x21: {  	s3 =	sadd.s32 s3, s9;
	s6 =	sadd.s32 @!p0 $0x88, s6;
	s7 =	simm.s32 @p2 $0x1082  }
0x22: {  	[simem:s7], [sflag:s8] =	dma.local @!p0 [hbm:s6], $0xF7A  }
0x23: {  	s9 =	sor.u32 $0xD0000000, s2;
	s6 =	simm.s32 $0x108;
	_ =	swait.ge @!p0 [sflag:s8], $0x0  }
0x24: {  	s3 =	sadd.s32 $0x88, s3;
	s6 =	simm.s32 @!p1 $0x1082;
	[sflag:s4] =	ssyncset.s32 $0xFFFFF086  }
0x25: {  	[simem:s6], [sflag:s4] =	dma.local [hbm:s3], $0xF7A  }
0x26: {  	[smem:$0x3FA0] =	sst s1;
	(tag) =	ssettag s2;
	_ =	strace s9  }
0x27: {  	s1 =	sld [smem:$0x3FB0]  }
0x28: {  	s2 =	sld [smem:$0x3FB1]  }
0x29: {  	s4 =	sld [smem:$0x3FB3]  }
0x2a: {  	p0 =	seq.s32 s5, $0x0;
	s5 =	sld [smem:$0x3FB4]  }
0x2b: {  	s6 =	sld [smem:$0x3FB5]  }
0x2c: {  	s7 =	sld [smem:$0x3FB6]  }
0x2d: {  	s3 =	simm.s32 $0x108;
	s8 =	sld [smem:$0x3FB7]  }
0x2e: {  	s3 =	simm.s32 @!p0 $0x1082;
	s9 =	sld [smem:$0x3FB8]  }
0x2f: {  	lr =	sadd.s32 s0, s3;
	s0 =	sld [smem:$0x3FAF]  }
0x30: {  	s3 =	sld [smem:$0x3FB2]  }
0x31: {  	[smem:$0x3FBB] =	sst s10  }
0x32: {  	s10 =	sld [smem:$0x3FB9];
	_ =	sdelay $0x3  }
0x33: {  	p0 =	seq.s32 s10, $0x1;
	s10 =	sld [smem:$0x3FBB];
	_ =	sdelay $0x3  }
0x34: {  	[smem:$0x3FBB] =	sst s10  }
0x35: {  	s10 =	sld [smem:$0x3FBA];
	_ =	sdelay $0x3  }
0x36: {  	p1 =	seq.s32 s10, $0x1;
	s10 =	sld [smem:$0x3FBB];
	_ =	sdelay $0x3  }
0x37: {  	[smem:$0x3FBB] =	sst s10  }
0x38: {  	s10 =	sld [smem:$0x3FBC]  }
0x39: {  	_ = 	snop;
	(pc) =	sbr.ind lr, $3  }
0x3a: {  	_ = 	snop  }
0x3b: {  	_ = 	snop  }
0x3c: {  	p2 =	seq.s32 s10, $0x1;
	s10 =	sld [smem:$0x3FBB]  }
0x3d: {  	_ =	shalt  }
0x3e: {  	_ =	shalt  }
0x3f: {  	_ =	shalt  }
0x40: {  	_ =	shalt  }
0x41: {  	_ =	shalt  }
0x42: {  	_ =	shalt  }
0x43: {  	_ =	shalt  }
0x44: {  	_ =	shalt  }
0x45: {  	_ =	shalt  }
0x46: {  	_ =	shalt  }
0x47: {  	_ =	shalt  }
0x48: {  	_ =	shalt  }
0x49: {  	_ =	shalt  }
0x4a: {  	_ =	shalt  }
0x4b: {  	_ =	shalt  }
0x4c: {  	_ =	shalt  }
0x4d: {  	_ =	shalt  }
0x4e: {  	_ =	shalt  }
0x4f: {  	_ =	shalt  }
0x50: {  	_ =	shalt  }
0x51: {  	_ =	shalt  }
0x52: {  	_ =	shalt  }
0x53: {  	_ =	shalt  }
0x54: {  	_ =	shalt  }
0x55: {  	_ =	shalt  }
0x56: {  	_ =	shalt  }
0x57: {  	_ =	shalt  }
0x58: {  	_ =	shalt  }
0x59: {  	_ =	shalt  }
0x5a: {  	_ =	shalt  }
0x5b: {  	_ =	shalt  }
0x5c: {  	_ =	shalt  }
0x5d: {  	_ =	shalt  }
0x5e: {  	_ =	shalt  }
0x5f: {  	_ =	shalt  }
0x60: {  	_ =	shalt  }
0x61: {  	_ =	shalt  }
0x62: {  	_ =	shalt  }
0x63: {  	_ =	shalt  }
0x64: {  	_ =	shalt  }
0x65: {  	_ =	shalt  }
0x66: {  	_ =	shalt  }
0x67: {  	_ =	shalt  }
0x68: {  	_ =	shalt  }
0x69: {  	_ =	shalt  }
0x6a: {  	_ =	shalt  }
0x6b: {  	_ =	shalt  }
0x6c: {  	_ =	shalt  }
0x6d: {  	_ =	shalt  }
0x6e: {  	_ =	shalt  }
0x6f: {  	_ =	shalt  }
0x70: {  	_ =	shalt  }
0x71: {  	_ =	shalt  }
0x72: {  	_ =	shalt  }
0x73: {  	_ =	shalt  }
0x74: {  	_ =	shalt  }
0x75: {  	_ =	shalt  }
0x76: {  	_ =	shalt  }
0x77: {  	_ =	shalt  }
0x78: {  	_ =	shalt  }
0x79: {  	_ =	shalt  }
0x7a: {  	_ =	shalt  }
0x7b: {  	_ =	shalt  }
0x7c: {  	_ =	shalt  }
0x7d: {  	_ =	shalt  }
0x7e: {  	_ =	shalt  }
0x7f: {  	_ =	shalt  }
0x80: {  	_ =	shalt  }
0x81: {  	_ =	shalt  }
0x82: {  	_ =	shalt  }
0x83: {  	_ =	shalt  }
0x84: {  	_ =	shalt  }
0x85: {  	_ =	shalt  }
0x86: {  	_ =	shalt  }
0x87: {  	_ =	shalt  }
.Lfunc_end0:
.L_simem_size_0:
called_computation_lowered:
.L_overlay_start_0:
0x88: {  	s2 =	sld [smem:$0x3FD9]  }
0x89: {  	s3 =	sld [smem:$0x3FFE];
	_ =	sdelay $0x1  }
0x8a: {  	s1 =	srdreg.scid  }
0x8b: {  	s0 =	sand.u32 $0x1, s1  }
0x8c: {  	s15 =	sshll.u32 s0, $0xA;
	s2 =	sadd.s32 s3, s2  }
0x8d: {  	s2 =	sadd.s32 s2, s15  }
0x8e: {  	[smem:$0x3FC7] =	sst s2  }
0x8f: {  	_ = 	snop  }
0x90: {  	s2 =	sld [smem:$0x3FD0];
	_ =	sdelay $0x2  }
0x91: {  	s4 =	simm.s32 $0xA;
	s5 =	simm.s32 $0x10;
	s16 =	sld [smem:$0x3FC9]  }
0x92: {  	[smem:s5], [sflag:s4] =	dma.local [hbm:s2], $0x1  }
0x93: {  	_ =	swait.eq [sflag:s4], $0x1  }
0x94: {  	[sflag:s4] =	ssyncset.done $0x0  }
0x95: {  	[sflag:s4] =	ssyncadd.s32 $0xFFFFFFFF  }
0x96: {  	s17 =	sld [smem:$0x11];
	(tm) =	ssettm $0x1  }
0x97: {  	s18 =	sld [smem:$0x3FFB];
	_ =	sdelay $0x3  }
0x98: {  	_ =	strace s18  }
0x99: {  	s4 =	sld [smem:$0x3FFC];
	_ =	sdelay $0x3  }
0x9a: {  	_ =	strace s4  }
0x9b: {  	s4 =	sld [smem:$0x3FFD];
	_ =	sdelay $0x3  }
0x9c: {  	_ =	strace s4  }
0x9d: {  	_ =	strace $0x8FFFFFFF  }
0x9e: {  	s19 =	sld [smem:$0x3FDB];
	_ =	sdelay $0x1  }
0x9f: {  	s20 =	simm.s32 $_scs_section_size  }
0xa0: {  	s6 =	simm.s32 $_size__tile_overlayer_lowered;
	s7 =	simm.s32 $_tile_overlayer_lowered  }
0xa1: {  	s23 =	simm.s32 $0x1BFF;
	s22 =	sshll.u32 s7, $0x1;
	s4 =	sadd.s32 s20, s19  }
0xa2: {  	s8 =	simm.s32 $0x0;
	s21 =	sshll.u32 s6, $0x1;
	s6 =	sadd.s32 s22, s4  }
0xa3: {  	[timem:s8], [sflag:s23] =	dma.local [hbm:s6], s21  }
0xa4: {  	_ =	swait.ge [sflag:s23], s21  }
0xa5: {  	s5 =	ssub.s32 $0x0, s21;
	[sflag:s23] =	ssyncset.done $0x0  }
0xa6: {  	[sflag:s23] =	ssyncadd.s32 s5;
	_ =	sdelay $0x1  }
0xa7: {  	s24 =	simm.s32 $0x1B8B  }
0xa8: {  	_ =	swait.ge [sflag:s24], $0x1  }
0xa9: {  	[sflag:s24] =	ssyncset.done $0x0  }
0xaa: {  	s25 =	simm.s32 $0x1B8E;
	[sflag:s24] =	ssyncadd.s32 $0xFFFFFFFF  }
0xab: {  	s26 =	simm.s32 $execute0_lowered;
	[smem:$0x3FD2] =	sst s25  }
0xac: {  	s5 =	sshll.u32 s26, $0x1;
	_ =	strace $0x80000046;
	[dreg:$0x1] =	wrdreg $0xFFFFFFFF  }
0xad: {  	s28 =	simm.s32 $_size_execute0_lowered;
	s4 =	sadd.s32 s4, s5;
	[dreg:$0x0] =	wrdreg $0x0  }
0xae: {  	s5 =	sshll.u32 s28, $0x1;
	[dreg:$0x2] =	wrdreg s4  }
0xaf: {  	[dreg:$0x3] =	wrdreg s5  }
0xb0: {  	[dreg:$0x4] =	wrdreg $0xC0  }
0xb1: {  	_ =	task [dreg:s8], $0x5FFFF  }
0xb2: {  	[dreg:$0x1] =	wrdreg $0xFFFFFFFF  }
0xb3: {  	[dreg:$0x0] =	wrdreg $0x60  }
0xb4: {  	[dreg:$0x2] =	wrdreg s16  }
0xb5: {  	[dreg:$0x3] =	wrdreg s17  }
0xb6: {  	[dreg:$0x4] =	wrdreg $0x42800  }
0xb7: {  	[dreg:$0x5] =	wrdreg $0x9  }
0xb8: {  	_ =	task.clear_ibuf [dreg:s8], $0x6FFFF;
	_ =	strace $0x90000046  }
0xb9: {  	s29 =	simm.s32 $0x9;
	_ =	strace $0x80000048  }
0xba: {  	_ =	swait.ge [sflag:s29], $0x1  }
0xbb: {  	[sflag:s29] =	ssyncadd.s32 $0xFFFFFFFF  }
0xbc: {  	_ =	strace $0x90000048  }
0xbd: {  	_ =	sfence  }
0xbe: {  	s30 =	sld [smem:$0x0];
	_ =	sdelay $0x2  }
0xbf: {  	s31 =	sshll.u32 s1, $0xD;
	s1 =	sshrl.u32 s1, $0x2  }
0xc0: {  	s3 =	sand.u32 $0x4000, s31;
	s1 =	sadd.s32 s1, s30  }
0xc1: {  	s0 =	sor.u32 s3, s0;
	s1 =	sshll.u32 s1, $0x11  }
0xc2: {  	s0 =	sor.u32 s1, s0  }
0xc3: {  	s0 =	sadd.s32 $0x8F2B, s0  }
0xc4: {  	[sflag:s0] =	ssyncadd.remote.s32 $0x1  }
0xc5: {  	_ =	sfence.sel $0xFFFF  }
0xc6: {  	[dreg:$0x0] =	wrdreg $0xFFFFFFFF;
	(pc) =	sbr.abs _section_cstart, $3  }
0xc7: {  	[dreg:$0x1] =	wrdreg $0xFFFFFFFF  }
0xc8: {  	_ =	task.clear_ibuf [dreg:s8], $0x2FFFF;
	_ =	strace $0x9FFFFFFF  }
0xc9: {  	(tm) =	ssettm $0x7FFFFFFF  }
tec
execute0_lowered:
.L_overlay_start_1:
0x0: {  	(tag) =	ssettag $0x1  }
0x1: {  	s3 =	rddreg [dreg:$0x0]  }
0x2: {  	s6 =	rddreg [dreg:$0x1]  }
0x3: {  	s4 =	rddreg [dreg:$0x2]  }
0x4: {  	s0 =	rddreg [dreg:$0x3]  }
0x5: {  	s5 =	srdreg.scid;
	s1 =	stileid.u32  }
0x6: {  	s2 =	simm.s32 $0x0;
	s12 =	simm.s32 $0x3;
	s13 =	simm.s32 $0x0  }
0x7: {  	s5 =	sand.u32 $0x1, s5;
	s7 =	sshll.u32 s1, $0x1;
	[smem:$0x7FF] =	sst s2  }
0x8: {  	s11 =	sand.u32 $0x3, s1;
	s30 =	sshll.u32 s1, $0x7;
	s8 =	sshll.u32 s5, $0x5  }
0x9: {  	s7 =	sand.u32 $0x18, s7;
	_ =	strace $0x80000047;
	s5 =	ssub.s32 $0x2, s5  }
0xa: {  	s9 =	sshll.u32 s11, $0xB;
	s31 =	sadd.s32 s30, s4;
	p0 =	sne.s32 s11, $0x0  }
0xb: {  	s11 =	simm.s32 $0x4000;
	s7 =	sor.u32 s8, s7;
	s10 =	sshrl.u32 s5, $0x1  }
0xc: {  	s8 =	sshll.u32 s7, $0xA;
	s10 =	ssub.s32 s5, s10;
	s7 =	sshrl.u32 s7, $0x3  }
0xd: {  	vm0 =	vmmov $0x1;
	v0 =	vimm.s32 $0x0;
	s5 =	sadd.s32 $0x800, s31;
	s8 =	sor.u32 s9, s8;
	s6 =	sadd.s32 s6, s7  }
0xe: {  	v0 =	vsel vm0, $0xFFFFFFFF, v0;
	s7 =	smax.u32 s10, $0x1;
	s9 =	simm.s32 $0x1;
	s3 =	sadd.s32 s3, s8  }
0xf: {  	[tilespmem:$0x1FFF0] =	vst v0;
	s10 =	simm.s32 $0x2;
	s8 =	simm.s32 $0x2000;
	s4 =	sadd.s32 $0x400, s3  }
.LBB2_1:
0x10: {  	[tilespmem:s2], [sflag:$0x1] =	stream.linear.gather [hbm4b:s3+s2], $0x2000, $0x38;
	[tilespmem:$0x42A0] =	vst v63  }
0x11: {  	_ = 	snop  }
0x12: {  	[tilespmem:s8], [sflag:$0x2] =	stream.linear.gather [hbm4b:s4+s2], $0x2000, $0x38;
	[tilespmem:$0x42A0] =	vst v63  }
0x13: {  	_ =	swait.ge [sflag:s9], $0x2000  }
0x14: {  	s14 =	sand.u32 $0x60, s2;
	s15 =	sand.u32 $0x1C00, s2;
	[sflag:s9] =	ssyncset.done $0x0  }
0x15: {  	s14 =	sor.u32 s14, s15;
	[sflag:s9] =	ssyncadd.s32 $0xFFFFE000  }
0x16: {  	v13 =	vld [tilespmem:s14+$0x10]  }
0x17: {  	v10 =	vld [tilespmem:s14+$0x90]  }
0x18: {  	v11 =	vld [tilespmem:s14+$0x110]  }
0x19: {  	v8 =	vld [tilespmem:s14+$0x190]  }
0x1a: {  	v9 =	vld [tilespmem:s14+$0x210]  }
0x1b: {  	v6 =	vld [tilespmem:s14+$0x290]  }
0x1c: {  	v12 =	vld [tilespmem:s14+$0x0]  }
0x1d: {  	v5 =	vld [tilespmem:s14+$0x80]  }
0x1e: {  	v4 =	vld [tilespmem:s14+$0x100]  }
0x1f: {  	v0 =	vimm.f32 $0.0e+00;
	v2 =	vld [tilespmem:s14+$0x180]  }
0x20: {  	s25 =	sor.u32 s2, s2;
	v1 =	vld [tilespmem:s14+$0x200];
	vm14 =	vgt.f32 v13, $5.000000000e-01;
	vm11 =	vgt.f32 v10, $5.000000000e-01;
	vm2 =	vgt.f32 v11, $5.000000000e-01  }
0x21: {  	s26 =	sor.u32 $0x380, s25;
	v3 =	vld [tilespmem:s14+$0x280];
	vm3 =	vgt.f32 v8, $5.000000000e-01;
	vm15 =	vgt.f32 v9, $5.000000000e-01;
	vm12 =	vgt.f32 v12, $5.000000000e-01  }
0x22: {  	s28 =	sand.u32 $0x3, s2;
	v7 =	vld [tilespmem:s26+$0x0];
	vm13 =	vgt.f32 v5, $5.000000000e-01;
	vm5 =	vgt.f32 v6, $5.000000000e-01;
	v16 =	vmul.f32 $9.632840150e-01, v13  }
0x23: {  	s29 =	sshll.u32 s28, $0x5;
	vm4 =	vgt.f32 v4, $5.000000000e-01;
	v17 =	vmul.f32 $9.632840150e-01, v10;
	v18 =	vmul.f32 $9.632840150e-01, v11  }
0x24: {  	s14 =	sadd.s32 $0x0, s29;
	vm9 =	vgt.f32 v2, $5.000000000e-01;
	v19 =	vmul.f32 $9.632840150e-01, v8;
	v20 =	vmul.f32 $9.632840150e-01, v9  }
0x25: {  	s30 =	sor.u32 $0x300, s14;
	s14 =	sadd.s32 $0x10, s14;
	vm8 =	vgt.f32 v1, $5.000000000e-01;
	v21 =	vmul.f32 $9.632840150e-01, v6;
	v22 =	vmul.f32 $9.632840150e-01, v12  }
0x26: {  	v14 =	vld [tilespmem:s30+$0x0];
	s31 =	sor.u32 $0x300, s14;
	v23 =	vmul.f32 $9.632840150e-01, v5;
	vm1 =	vgt.f32 v3, $5.000000000e-01;
	v24 =	vmul.f32 $9.632840150e-01, v4  }
0x27: {  	v15 =	vld [tilespmem:s31+$0x0];
	v25 =	vmul.f32 $9.632840150e-01, v2;
	vm10 =	vgt.f32 v7, $5.000000000e-01;
	v26 =	vadd.f32 $-4.490120410e+00, v16  }
0x28: {  	v27 =	vmul.f32 $9.632840150e-01, v1;
	v17 =	vadd.f32 $-4.490120410e+00, v17;
	v18 =	vadd.f32 $-4.490120410e+00, v18  }
0x29: {  	v28 =	vmul.f32 $9.632840150e-01, v3;
	v19 =	vadd.f32 $-4.490120410e+00, v19;
	v20 =	vadd.f32 $-4.490120410e+00, v20  }
0x2a: {  	v29 =	vmul.f32 $9.632840150e-01, v7;
	v21 =	vadd.f32 $-4.490120410e+00, v21;
	v22 =	vadd.f32 $-4.490120410e+00, v22  }
0x2b: {  	v23 =	vadd.f32 $-4.490120410e+00, v23;
	vm6 =	vgt.f32 v14, $5.000000000e-01;
	v24 =	vadd.f32 $-4.490120410e+00, v24  }
0x2c: {  	v25 =	vadd.f32 $-4.490120410e+00, v25;
	v30 =	vmul.f32 $9.632840150e-01, v14;
	v31 =	vmul.f32 $9.632840150e-01, v15  }
0x2d: {  	v27 =	vadd.f32 $-4.490120410e+00, v27;
	v26 =	vmul.f32 v26, v13;
	v17 =	vmul.f32 v17, v10  }
0x2e: {  	v28 =	vadd.f32 $-4.490120410e+00, v28;
	v18 =	vmul.f32 v18, v11;
	v19 =	vmul.f32 v19, v8  }
0x2f: {  	v29 =	vadd.f32 $-4.490120410e+00, v29;
	v20 =	vmul.f32 v20, v9;
	v21 =	vmul.f32 v21, v6  }
0x30: {  	vm7 =	vgt.f32 v15, $5.000000000e-01;
	v22 =	vmul.f32 v22, v12;
	v23 =	vmul.f32 v23, v5  }
0x31: {  	s14 =	sor.u32 $0x380, s14;
	v30 =	vadd.f32 $-4.490120410e+00, v30;
	v24 =	vmul.f32 v24, v4;
	v31 =	vadd.f32 $-4.490120410e+00, v31  }
0x32: {  	v16 =	vld [tilespmem:s14+$0x0];
	v25 =	vmul.f32 v25, v2;
	v26 =	vadd.f32 $8.838465690e+00, v26;
	v17 =	vadd.f32 $8.838465690e+00, v17  }
0x33: {  	v27 =	vmul.f32 v27, v1;
	v18 =	vadd.f32 $8.838465690e+00, v18;
	v19 =	vadd.f32 $8.838465690e+00, v19  }
0x34: {  	v28 =	vmul.f32 v28, v3;
	v20 =	vadd.f32 $8.838465690e+00, v20;
	v22 =	vadd.f32 $8.838465690e+00, v22  }
0x35: {  	v29 =	vmul.f32 v29, v7;
	v21 =	vadd.f32 $8.838465690e+00, v21;
	v23 =	vadd.f32 $8.838465690e+00, v23  }
0x36: {  	v24 =	vadd.f32 $8.838465690e+00, v24;
	v30 =	vmul.f32 v30, v14;
	v25 =	vadd.f32 $8.838465690e+00, v25  }
0x37: {  	v27 =	vadd.f32 $8.838465690e+00, v27;
	v32 =	vmul.f32 $9.632840150e-01, v16;
	v31 =	vmul.f32 v31, v15  }
0x38: {  	v28 =	vadd.f32 $8.838465690e+00, v28;
	v26 =	vmul.f32 v26, v13;
	v17 =	vmul.f32 v17, v10  }
0x39: {  	v29 =	vadd.f32 $8.838465690e+00, v29;
	v18 =	vmul.f32 v18, v11;
	v19 =	vmul.f32 v19, v8  }
0x3a: {  	vm0 =	vgt.f32 v16, $5.000000000e-01;
	v20 =	vmul.f32 v20, v9;
	v21 =	vmul.f32 v21, v6  }
0x3b: {  	v22 =	vmul.f32 v22, v12;
	v30 =	vadd.f32 $8.838465690e+00, v30;
	v23 =	vmul.f32 v23, v5  }
0x3c: {  	v24 =	vmul.f32 v24, v4;
	v32 =	vadd.f32 $-4.490120410e+00, v32;
	v31 =	vadd.f32 $8.838465690e+00, v31  }
0x3d: {  	v25 =	vmul.f32 v25, v2;
	v26 =	vadd.f32 $-9.683250420e+00, v26;
	v17 =	vadd.f32 $-9.683250420e+00, v17  }
0x3e: {  	v27 =	vmul.f32 v27, v1;
	v18 =	vadd.f32 $-9.683250420e+00, v18;
	v19 =	vadd.f32 $-9.683250420e+00, v19  }
0x3f: {  	v28 =	vmul.f32 v28, v3;
	v20 =	vadd.f32 $-9.683250420e+00, v20;
	v21 =	vadd.f32 $-9.683250420e+00, v21  }
0x40: {  	v29 =	vmul.f32 v29, v7;
	v22 =	vadd.f32 $-9.683250420e+00, v22;
	v23 =	vadd.f32 $-9.683250420e+00, v23  }
0x41: {  	v24 =	vadd.f32 $-9.683250420e+00, v24;
	v30 =	vmul.f32 v30, v14;
	v32 =	vmul.f32 v32, v16  }
0x42: {  	v25 =	vadd.f32 $-9.683250420e+00, v25;
	v31 =	vmul.f32 v31, v15;
	v26 =	vmul.f32 v26, v13  }
0x43: {  	v27 =	vadd.f32 $-9.683250420e+00, v27;
	v17 =	vmul.f32 v17, v10;
	v18 =	vmul.f32 v18, v11  }
0x44: {  	v28 =	vadd.f32 $-9.683250420e+00, v28;
	v19 =	vmul.f32 v19, v8;
	v20 =	vmul.f32 v20, v9  }
0x45: {  	v29 =	vadd.f32 $-9.683250420e+00, v29;
	v22 =	vmul.f32 v22, v12;
	v21 =	vmul.f32 v21, v6  }
0x46: {  	v30 =	vadd.f32 $-9.683250420e+00, v30;
	v23 =	vmul.f32 v23, v5;
	v32 =	vadd.f32 $8.838465690e+00, v32  }
0x47: {  	v24 =	vmul.f32 v24, v4;
	v31 =	vadd.f32 $-9.683250420e+00, v31;
	v26 =	vadd.f32 $6.996455670e+00, v26  }
0x48: {  	v25 =	vmul.f32 v25, v2;
	v17 =	vadd.f32 $6.996455670e+00, v17;
	v18 =	vadd.f32 $6.996455670e+00, v18  }
0x49: {  	v27 =	vmul.f32 v27, v1;
	v19 =	vadd.f32 $6.996455670e+00, v19;
	v20 =	vadd.f32 $6.996455670e+00, v20  }
0x4a: {  	v28 =	vmul.f32 v28, v3;
	v22 =	vadd.f32 $6.996455670e+00, v22;
	v21 =	vadd.f32 $6.996455670e+00, v21  }
0x4b: {  	v29 =	vmul.f32 v29, v7;
	v23 =	vadd.f32 $6.996455670e+00, v23;
	v24 =	vadd.f32 $6.996455670e+00, v24  }
0x4c: {  	v25 =	vadd.f32 $6.996455670e+00, v25;
	v30 =	vmul.f32 v30, v14;
	v32 =	vmul.f32 v32, v16  }
0x4d: {  	v27 =	vadd.f32 $6.996455670e+00, v27;
	v31 =	vmul.f32 v31, v15;
	v13 =	vmul.f32 v26, v13  }
0x4e: {  	v28 =	vadd.f32 $6.996455670e+00, v28;
	v17 =	vmul.f32 v17, v10;
	v11 =	vmul.f32 v18, v11  }
0x4f: {  	v18 =	vadd.f32 $6.996455670e+00, v29;
	v8 =	vmul.f32 v19, v8;
	v19 =	vmul.f32 v20, v9  }
0x50: {  	v12 =	vmul.f32 v22, v12;
	v20 =	vadd.f32 $6.996455670e+00, v30;
	v21 =	vmul.f32 v21, v6  }
0x51: {  	v5 =	vmul.f32 v23, v5;
	v32 =	vadd.f32 $-9.683250420e+00, v32;
	v22 =	vadd.f32 $6.996455670e+00, v31  }
0x52: {  	v4 =	vmul.f32 v24, v4;
	v10 =	vadd.f32 $-2.624818800e+00, v13;
	v6 =	vadd.f32 $-2.624818800e+00, v17  }
0x53: {  	v2 =	vmul.f32 v25, v2;
	v11 =	vadd.f32 $-2.624818800e+00, v11;
	v9 =	vadd.f32 $-2.624818800e+00, v8  }
0x54: {  	v1 =	vmul.f32 v27, v1;
	v25 =	vadd.f32 $-2.624818800e+00, v19;
	v27 =	vadd.f32 $-2.624818800e+00, v12  }
0x55: {  	v3 =	vmul.f32 v28, v3;
	v12 =	vadd.f32 $-2.624818800e+00, v5;
	v13 =	vadd.f32 $-2.624818800e+00, v4  }
0x56: {  	v4 =	vmul.f32 v18, v7;
	v24 =	vadd.f32 $-2.624818800e+00, v2;
	v19 =	vadd.f32 $-2.624818800e+00, v1  }
0x57: {  	v17 =	vadd.f32 $-2.624818800e+00, v3;
	v20 =	vmul.f32 v20, v14;
	v26 =	vmul.f32 v32, v16  }
0x58: {  	v2 =	vimm.f32 $0.0e+00;
	v3 =	vimm.f32 $0.0e+00;
	v1 =	vimm.f32 $0.0e+00  }
0x59: {  	v8 =	vimm.f32 $0.0e+00;
	v5 =	vimm.f32 $0.0e+00;
	v29 =	vadd.f32 $6.996455670e+00, v26  }
0x5a: {  	s16 =	simm.s32 $0x20;
	v7 =	vimm.f32 $0.0e+00;
	v15 =	vmul.f32 v22, v15;
	v18 =	vadd.f32 $-2.624818800e+00, v4  }
0x5b: {  	s17 =	simm.s32 $0x0;
	s15 =	simm.s32 $0x100;
	s14 =	simm.s32 $0x0;
	v4 =	vimm.f32 $0.0e+00;
	v26 =	vadd.f32 $-2.624818800e+00, v21;
	v14 =	vmul.f32 v29, v16  }
.LBB2_2:
0x5c: {  	s18 =	sand.u32 $0x60, s16;
	s19 =	sand.u32 $0x1C00, s15;
	v16 =	vnsel vm14, $0x0, v10;
	v21 =	vnsel vm11, $0x0, v6;
	v22 =	vnsel vm2, $0x0, v11  }
0x5d: {  	v23 =	vnsel vm3, $0x0, v9;
	v25 =	vnsel vm15, $0x0, v25;
	v26 =	vnsel vm5, $0x0, v26;
	s18 =	sor.u32 s18, s19  }
0x5e: {  	v11 =	vnsel vm12, $0x0, v27;
	v12 =	vnsel vm13, $0x0, v12;
	v20 =	vadd.f32 $-2.624818800e+00, v20;
	v6 =	vld [tilespmem:s18+$0x10]  }
0x5f: {  	v13 =	vnsel vm4, $0x0, v13;
	v27 =	vadd.f32 $-2.624818800e+00, v15;
	v28 =	vadd.f32 $-2.624818800e+00, v14;
	v9 =	vld [tilespmem:s18+$0x90]  }
0x60: {  	v0 =	vadd.f32 v11, v0;
	v2 =	vadd.f32 v12, v2;
	v12 =	vnsel vm9, $0x0, v24;
	v10 =	vld [tilespmem:s18+$0x110]  }
0x61: {  	v3 =	vadd.f32 v13, v3;
	v15 =	vnsel vm8, $0x0, v19;
	v1 =	vadd.f32 v12, v1;
	v11 =	vld [tilespmem:s18+$0x190]  }
0x62: {  	v17 =	vnsel vm1, $0x0, v17;
	v0 =	vadd.f32 v16, v0;
	v2 =	vadd.f32 v21, v2;
	v12 =	vld [tilespmem:s18+$0x210]  }
0x63: {  	v16 =	vnsel vm10, $0x0, v18;
	v3 =	vadd.f32 v22, v3;
	v1 =	vadd.f32 v23, v1;
	v13 =	vld [tilespmem:s18+$0x290]  }
0x64: {  	v5 =	vadd.f32 v17, v5;
	v8 =	vadd.f32 v15, v8;
	v17 =	vnsel vm6, $0x0, v20;
	v14 =	vld [tilespmem:s18+$0x0]  }
0x65: {  	v7 =	vadd.f32 v17, v7;
	v17 =	vnsel vm7, $0x0, v27;
	v4 =	vadd.f32 v16, v4;
	v15 =	vld [tilespmem:s18+$0x80]  }
0x66: {  	v5 =	vadd.f32 v26, v5;
	v19 =	vnsel vm0, $0x0, v28;
	v8 =	vadd.f32 v25, v8;
	v16 =	vld [tilespmem:s18+$0x100]  }
0x67: {  	v7 =	vadd.f32 v17, v7;
	v4 =	vadd.f32 v19, v4;
	v18 =	vld [tilespmem:s18+$0x180]  }
0x68: {  	s19 =	sor.u32 s15, s16;
	vm14 =	vgt.f32 v6, $5.000000000e-01;
	vm11 =	vgt.f32 v9, $5.000000000e-01;
	v19 =	vld [tilespmem:s18+$0x200]  }
0x69: {  	s17 =	sadd.s32 $0x1, s17;
	vm2 =	vgt.f32 v10, $5.000000000e-01;
	vm3 =	vgt.f32 v11, $5.000000000e-01;
	vm15 =	vgt.f32 v12, $5.000000000e-01;
	v17 =	vld [tilespmem:s18+$0x280];
	s18 =	sor.u32 $0x380, s19  }
0x6a: {  	vm5 =	vgt.f32 v13, $5.000000000e-01;
	s19 =	sand.u32 $0x3, s17;
	vm12 =	vgt.f32 v14, $5.000000000e-01;
	vm13 =	vgt.f32 v15, $5.000000000e-01;
	v20 =	vld [tilespmem:s18+$0x0]  }
0x6b: {  	v23 =	vmul.f32 $9.632840150e-01, v6;
	v24 =	vmul.f32 $9.632840150e-01, v9;
	s18 =	sshll.u32 s19, $0x5;
	vm4 =	vgt.f32 v16, $5.000000000e-01  }
0x6c: {  	v25 =	vmul.f32 $9.632840150e-01, v10;
	v26 =	vmul.f32 $9.632840150e-01, v11;
	s18 =	sadd.s32 s18, s15;
	vm9 =	vgt.f32 v18, $5.000000000e-01  }
0x6d: {  	v27 =	vmul.f32 $9.632840150e-01, v12;
	v28 =	vmul.f32 $9.632840150e-01, v13;
	s19 =	sor.u32 $0x300, s18;
	s18 =	sadd.s32 $0x10, s18;
	vm8 =	vgt.f32 v19, $5.000000000e-01  }
0x6e: {  	v29 =	vmul.f32 $9.632840150e-01, v14;
	v30 =	vmul.f32 $9.632840150e-01, v15;
	vm1 =	vgt.f32 v17, $5.000000000e-01;
	v21 =	vld [tilespmem:s19+$0x0];
	s19 =	sor.u32 $0x300, s18  }
0x6f: {  	v31 =	vmul.f32 $9.632840150e-01, v16;
	v32 =	vmul.f32 $9.632840150e-01, v18;
	s18 =	sor.u32 $0x380, s18;
	vm10 =	vgt.f32 v20, $5.000000000e-01;
	v22 =	vld [tilespmem:s19+$0x0]  }
0x70: {  	v34 =	vadd.f32 $-4.490120410e+00, v23;
	v24 =	vadd.f32 $-4.490120410e+00, v24;
	v33 =	vmul.f32 $9.632840150e-01, v19;
	v23 =	vld [tilespmem:s18+$0x0]  }
0x71: {  	v25 =	vadd.f32 $-4.490120410e+00, v25;
	v26 =	vadd.f32 $-4.490120410e+00, v26;
	v35 =	vmul.f32 $9.632840150e-01, v17  }
0x72: {  	v27 =	vadd.f32 $-4.490120410e+00, v27;
	v28 =	vadd.f32 $-4.490120410e+00, v28;
	v36 =	vmul.f32 $9.632840150e-01, v20  }
0x73: {  	v29 =	vadd.f32 $-4.490120410e+00, v29;
	v30 =	vadd.f32 $-4.490120410e+00, v30;
	vm6 =	vgt.f32 v21, $5.000000000e-01  }
0x74: {  	v31 =	vadd.f32 $-4.490120410e+00, v31;
	v32 =	vadd.f32 $-4.490120410e+00, v32;
	v37 =	vmul.f32 $9.632840150e-01, v21  }
0x75: {  	v33 =	vadd.f32 $-4.490120410e+00, v33;
	v38 =	vmul.f32 $9.632840150e-01, v22;
	v39 =	vmul.f32 $9.632840150e-01, v23  }
0x76: {  	v34 =	vmul.f32 v34, v6;
	v24 =	vmul.f32 v24, v9;
	v35 =	vadd.f32 $-4.490120410e+00, v35  }
0x77: {  	v25 =	vmul.f32 v25, v10;
	v26 =	vmul.f32 v26, v11;
	v36 =	vadd.f32 $-4.490120410e+00, v36  }
0x78: {  	v27 =	vmul.f32 v27, v12;
	v28 =	vmul.f32 v28, v13;
	vm7 =	vgt.f32 v22, $5.000000000e-01  }
0x79: {  	v29 =	vmul.f32 v29, v14;
	v30 =	vmul.f32 v30, v15;
	vm0 =	vgt.f32 v23, $5.000000000e-01  }
0x7a: {  	v31 =	vmul.f32 v31, v16;
	v37 =	vadd.f32 $-4.490120410e+00, v37;
	v38 =	vadd.f32 $-4.490120410e+00, v38  }
0x7b: {  	v34 =	vadd.f32 $8.838465690e+00, v34;
	v32 =	vmul.f32 v32, v18;
	v39 =	vadd.f32 $-4.490120410e+00, v39  }
0x7c: {  	v24 =	vadd.f32 $8.838465690e+00, v24;
	v25 =	vadd.f32 $8.838465690e+00, v25;
	v33 =	vmul.f32 v33, v19  }
0x7d: {  	v26 =	vadd.f32 $8.838465690e+00, v26;
	v27 =	vadd.f32 $8.838465690e+00, v27;
	v35 =	vmul.f32 v35, v17  }
0x7e: {  	v28 =	vadd.f32 $8.838465690e+00, v28;
	v29 =	vadd.f32 $8.838465690e+00, v29;
	v36 =	vmul.f32 v36, v20  }
0x7f: {  	v30 =	vadd.f32 $8.838465690e+00, v30;
	v31 =	vadd.f32 $8.838465690e+00, v31;
	v37 =	vmul.f32 v37, v21  }
0x80: {  	v32 =	vadd.f32 $8.838465690e+00, v32;
	v38 =	vmul.f32 v38, v22;
	v39 =	vmul.f32 v39, v23  }
0x81: {  	v34 =	vmul.f32 v34, v6;
	v24 =	vmul.f32 v24, v9;
	v33 =	vadd.f32 $8.838465690e+00, v33  }
0x82: {  	v25 =	vmul.f32 v25, v10;
	v26 =	vmul.f32 v26, v11;
	v35 =	vadd.f32 $8.838465690e+00, v35  }
0x83: {  	v27 =	vmul.f32 v27, v12;
	v28 =	vmul.f32 v28, v13;
	v36 =	vadd.f32 $8.838465690e+00, v36  }
0x84: {  	v29 =	vmul.f32 v29, v14;
	v30 =	vmul.f32 v30, v15;
	v37 =	vadd.f32 $8.838465690e+00, v37  }
0x85: {  	v31 =	vmul.f32 v31, v16;
	v38 =	vadd.f32 $8.838465690e+00, v38;
	v39 =	vadd.f32 $8.838465690e+00, v39  }
0x86: {  	v34 =	vadd.f32 $-9.683250420e+00, v34;
	v24 =	vadd.f32 $-9.683250420e+00, v24;
	v32 =	vmul.f32 v32, v18  }
0x87: {  	v25 =	vadd.f32 $-9.683250420e+00, v25;
	v26 =	vadd.f32 $-9.683250420e+00, v26;
	v33 =	vmul.f32 v33, v19  }
0x88: {  	v27 =	vadd.f32 $-9.683250420e+00, v27;
	v28 =	vadd.f32 $-9.683250420e+00, v28;
	v35 =	vmul.f32 v35, v17  }
0x89: {  	v29 =	vadd.f32 $-9.683250420e+00, v29;
	v30 =	vadd.f32 $-9.683250420e+00, v30;
	v36 =	vmul.f32 v36, v20  }
0x8a: {  	v31 =	vadd.f32 $-9.683250420e+00, v31;
	v37 =	vmul.f32 v37, v21;
	v38 =	vmul.f32 v38, v22  }
0x8b: {  	v34 =	vmul.f32 v34, v6;
	v32 =	vadd.f32 $-9.683250420e+00, v32;
	v39 =	vmul.f32 v39, v23  }
0x8c: {  	v24 =	vmul.f32 v24, v9;
	v25 =	vmul.f32 v25, v10;
	v33 =	vadd.f32 $-9.683250420e+00, v33  }
0x8d: {  	s14 =	sadd.s32 $0x2, s14;
	v26 =	vmul.f32 v26, v11;
	v27 =	vmul.f32 v27, v12;
	v35 =	vadd.f32 $-9.683250420e+00, v35  }
0x8e: {  	p1 =	slt.u32 s14, $0x3E;
	v28 =	vmul.f32 v28, v13;
	v29 =	vmul.f32 v29, v14;
	v36 =	vadd.f32 $-9.683250420e+00, v36  }
0x8f: {  	v30 =	vmul.f32 v30, v15;
	v37 =	vadd.f32 $-9.683250420e+00, v37;
	v38 =	vadd.f32 $-9.683250420e+00, v38  }
0x90: {  	v34 =	vadd.f32 $6.996455670e+00, v34;
	v31 =	vmul.f32 v31, v16;
	v39 =	vadd.f32 $-9.683250420e+00, v39  }
0x91: {  	v24 =	vadd.f32 $6.996455670e+00, v24;
	v25 =	vadd.f32 $6.996455670e+00, v25;
	v32 =	vmul.f32 v32, v18  }
0x92: {  	v26 =	vadd.f32 $6.996455670e+00, v26;
	v27 =	vadd.f32 $6.996455670e+00, v27;
	v33 =	vmul.f32 v33, v19  }
0x93: {  	v28 =	vadd.f32 $6.996455670e+00, v28;
	v29 =	vadd.f32 $6.996455670e+00, v29;
	v35 =	vmul.f32 v35, v17  }
0x94: {  	v30 =	vadd.f32 $6.996455670e+00, v30;
	v31 =	vadd.f32 $6.996455670e+00, v31;
	v36 =	vmul.f32 v36, v20  }
0x95: {  	v32 =	vadd.f32 $6.996455670e+00, v32;
	v37 =	vmul.f32 v37, v21;
	v38 =	vmul.f32 v38, v22  }
0x96: {  	v6 =	vmul.f32 v34, v6;
	v33 =	vadd.f32 $6.996455670e+00, v33;
	v34 =	vmul.f32 v39, v23  }
0x97: {  	v9 =	vmul.f32 v24, v9;
	v24 =	vmul.f32 v25, v10;
	v35 =	vadd.f32 $6.996455670e+00, v35  }
0x98: {  	v25 =	vmul.f32 v26, v11;
	v12 =	vmul.f32 v27, v12;
	v36 =	vadd.f32 $6.996455670e+00, v36  }
0x99: {  	v13 =	vmul.f32 v28, v13;
	v14 =	vmul.f32 v29, v14;
	v29 =	vadd.f32 $6.996455670e+00, v37  }
0x9a: {  	v15 =	vmul.f32 v30, v15;
	v28 =	vadd.f32 $6.996455670e+00, v38;
	v30 =	vadd.f32 $6.996455670e+00, v34  }
0x9b: {  	v10 =	vadd.f32 $-2.624818800e+00, v6;
	v6 =	vadd.f32 $-2.624818800e+00, v9;
	v16 =	vmul.f32 v31, v16  }
0x9c: {  	v11 =	vadd.f32 $-2.624818800e+00, v24;
	v9 =	vadd.f32 $-2.624818800e+00, v25;
	v18 =	vmul.f32 v32, v18  }
.Ltmp0:
0x9d: {  	v25 =	vadd.f32 $-2.624818800e+00, v12;
	v26 =	vadd.f32 $-2.624818800e+00, v13;
	v19 =	vmul.f32 v33, v19;
	(pc) =	sbr.rel @p1 .LBB2_2-.Ltmp0, $4  }
0x9e: {  	v27 =	vadd.f32 $-2.624818800e+00, v14;
	v12 =	vadd.f32 $-2.624818800e+00, v15;
	v14 =	vmul.f32 v35, v17  }
0x9f: {  	v13 =	vadd.f32 $-2.624818800e+00, v16;
	v24 =	vadd.f32 $-2.624818800e+00, v18;
	v15 =	vmul.f32 v36, v20  }
0xa0: {  	v19 =	vadd.f32 $-2.624818800e+00, v19;
	v17 =	vadd.f32 $-2.624818800e+00, v14;
	v20 =	vmul.f32 v29, v21  }
0xa1: {  	s16 =	sadd.s32 $0x20, s16;
	s15 =	sadd.s32 $0x100, s15;
	v18 =	vadd.f32 $-2.624818800e+00, v15;
	v15 =	vmul.f32 v28, v22;
	v14 =	vmul.f32 v30, v23  }
0xa2: {  	_ =	swait.ge [sflag:s10], $0x2000;
	s14 =	simm.s32 $0x410;
	s15 =	simm.s32 $0x2080  }
0xa3: {  	v16 =	vnsel vm14, $0x0, v10;
	[sflag:s10] =	ssyncset.done $0x0;
	s16 =	sand.u32 $0x70, s14;
	s15 =	sand.u32 $0x3C00, s15  }
0xa4: {  	v6 =	vnsel vm11, $0x0, v6;
	v21 =	vnsel vm2, $0x0, v11;
	v22 =	vnsel vm15, $0x0, v25;
	[sflag:s10] =	ssyncadd.s32 $0xFFFFE000;
	s16 =	sor.u32 s16, s15  }
0xa5: {  	v23 =	vnsel vm5, $0x0, v26;
	v25 =	vnsel vm12, $0x0, v27;
	v26 =	vnsel vm13, $0x0, v12;
	v10 =	vld [tilespmem:s16+$0x0]  }
0xa6: {  	v20 =	vadd.f32 $-2.624818800e+00, v20;
	v24 =	vnsel vm9, $0x0, v24;
	v27 =	vadd.f32 $-2.624818800e+00, v15;
	v11 =	vld [tilespmem:s16+$0x80]  }
0xa7: {  	v19 =	vnsel vm8, $0x0, v19;
	v28 =	vadd.f32 $-2.624818800e+00, v14;
	v0 =	vadd.f32 v25, v0;
	v12 =	vld [tilespmem:s16+$0x100]  }
0xa8: {  	v15 =	vnsel vm4, $0x0, v13;
	v2 =	vadd.f32 v26, v2;
	v24 =	vadd.f32 v24, v1;
	v13 =	vld [tilespmem:s16+$0x180]  }
0xa9: {  	v9 =	vnsel vm3, $0x0, v9;
	s17 =	simm.s32 $0x0;
	v8 =	vadd.f32 v19, v8;
	v3 =	vadd.f32 v15, v3;
	s15 =	simm.s32 $0x0;
	v14 =	vld [tilespmem:s16+$0x200]  }
0xaa: {  	s17 =	sand.u32 $0x60, s17;
	v1 =	vadd.f32 v16, v0;
	s18 =	sand.u32 $0x1C00, s15;
	v15 =	vld [tilespmem:s16+$0x280];
	v0 =	vnsel vm1, $0x0, v17;
	v6 =	vadd.f32 v6, v2  }
0xab: {  	v16 =	vld [tilespmem:s16+$0x300];
	v2 =	vadd.f32 v21, v3;
	s17 =	sor.u32 s17, s18;
	v3 =	vadd.f32 v9, v24;
	v9 =	vnsel vm6, $0x0, v20  }
0xac: {  	v19 =	vnsel vm10, $0x0, v18;
	v0 =	vadd.f32 v0, v5;
	v17 =	vld [tilespmem:s17+$0x2000];
	v5 =	vadd.f32 v9, v7  }
0xad: {  	v18 =	vld [tilespmem:s17+$0x2080];
	v9 =	vadd.f32 v19, v4;
	v19 =	vnsel vm7, $0x0, v27;
	v7 =	vadd.f32 v22, v8  }
0xae: {  	v21 =	vld [tilespmem:s17+$0x2100];
	v4 =	vadd.f32 v23, v0;
	v0 =	vnsel vm0, $0x0, v28;
	v5 =	vadd.f32 v19, v5  }
0xaf: {  	v22 =	vld [tilespmem:s17+$0x2200];
	v0 =	vadd.f32 v0, v9;
	vm6 =	vgt.f32 v10, $5.000000000e-01;
	vm2 =	vgt.f32 v11, $5.000000000e-01  }
0xb0: {  	v20 =	vld [tilespmem:s17+$0x2300];
	vm10 =	vgt.f32 v12, $5.000000000e-01;
	vm11 =	vgt.f32 v13, $5.000000000e-01;
	v24 =	vmul.f32 $9.632840150e-01, v10  }
0xb1: {  	v8 =	vld [tilespmem:s17+$0x2380];
	vm1 =	vgt.f32 v14, $5.000000000e-01;
	v25 =	vmul.f32 $9.632840150e-01, v11;
	v26 =	vmul.f32 $9.632840150e-01, v12  }
0xb2: {  	vm14 =	vgt.f32 v15, $5.000000000e-01;
	v27 =	vmul.f32 $9.632840150e-01, v13;
	v60 =	vmul.f32 $9.632840150e-01, v14  }
0xb3: {  	vm8 =	vgt.f32 v16, $5.000000000e-01;
	v29 =	vmul.f32 $9.632840150e-01, v15;
	v30 =	vmul.f32 $9.632840150e-01, v16  }
0xb4: {  	vm13 =	vgt.f32 v17, $5.000000000e-01;
	vm7 =	vgt.f32 v18, $5.000000000e-01;
	vm4 =	vgt.f32 v21, $5.000000000e-01  }
0xb5: {  	v23 =	vld [tilespmem:s17+$0x2180];
	vm9 =	vgt.f32 v22, $5.000000000e-01;
	v31 =	vmul.f32 $9.632840150e-01, v17;
	v32 =	vmul.f32 $9.632840150e-01, v18  }
0xb6: {  	s31 =	sand.u32 $0x7, s15;
	v19 =	vld [tilespmem:s17+$0x2280];
	vm15 =	vgt.f32 v20, $5.000000000e-01;
	v33 =	vmul.f32 $9.632840150e-01, v21;
	vm12 =	vgt.f32 v8, $5.000000000e-01  }
0xb7: {  	s16 =	sshll.u32 s31, $0x4;
	v35 =	vmul.f32 $9.632840150e-01, v22;
	v24 =	vadd.f32 $-4.490120410e+00, v24;
	v25 =	vadd.f32 $-4.490120410e+00, v25  }
0xb8: {  	s16 =	sadd.s32 $0x0, s16;
	v26 =	vadd.f32 $-4.490120410e+00, v26;
	v27 =	vadd.f32 $-4.490120410e+00, v27;
	v37 =	vmul.f32 $9.632840150e-01, v20  }
0xb9: {  	s16 =	sadd.s32 $0x2090, s16;
	v28 =	vadd.f32 $-4.490120410e+00, v60;
	v29 =	vadd.f32 $-4.490120410e+00, v29;
	v38 =	vmul.f32 $9.632840150e-01, v8  }
0xba: {  	s16 =	sor.u32 $0x300, s16;
	v30 =	vadd.f32 $-4.490120410e+00, v30;
	vm5 =	vgt.f32 v23, $5.000000000e-01;
	v34 =	vmul.f32 $9.632840150e-01, v23  }
0xbb: {  	v9 =	vld [tilespmem:s16+$0x0];
	vm3 =	vgt.f32 v19, $5.000000000e-01;
	v36 =	vmul.f32 $9.632840150e-01, v19;
	v31 =	vadd.f32 $-4.490120410e+00, v31  }
0xbc: {  	v32 =	vadd.f32 $-4.490120410e+00, v32;
	v24 =	vmul.f32 v24, v10;
	v25 =	vmul.f32 v25, v11  }
0xbd: {  	v33 =	vadd.f32 $-4.490120410e+00, v33;
	v26 =	vmul.f32 v26, v12;
	v27 =	vmul.f32 v27, v13  }
0xbe: {  	v35 =	vadd.f32 $-4.490120410e+00, v35;
	v28 =	vmul.f32 v28, v14;
	v29 =	vmul.f32 v29, v15  }
0xbf: {  	v37 =	vadd.f32 $-4.490120410e+00, v37;
	v30 =	vmul.f32 v30, v16;
	v38 =	vadd.f32 $-4.490120410e+00, v38  }
0xc0: {  	v39 =	vmul.f32 $9.632840150e-01, v9;
	v34 =	vadd.f32 $-4.490120410e+00, v34;
	v36 =	vadd.f32 $-4.490120410e+00, v36  }
0xc1: {  	v31 =	vmul.f32 v31, v17;
	v32 =	vmul.f32 v32, v18;
	v24 =	vadd.f32 $8.838465690e+00, v24  }
0xc2: {  	v33 =	vmul.f32 v33, v21;
	v25 =	vadd.f32 $8.838465690e+00, v25;
	v26 =	vadd.f32 $8.838465690e+00, v26  }
0xc3: {  	v35 =	vmul.f32 v35, v22;
	v27 =	vadd.f32 $8.838465690e+00, v27;
	v28 =	vadd.f32 $8.838465690e+00, v28  }
0xc4: {  	v37 =	vmul.f32 v37, v20;
	v29 =	vadd.f32 $8.838465690e+00, v29;
	v30 =	vadd.f32 $8.838465690e+00, v30  }
0xc5: {  	v38 =	vmul.f32 v38, v8;
	v34 =	vmul.f32 v34, v23;
	v39 =	vadd.f32 $-4.490120410e+00, v39  }
0xc6: {  	v36 =	vmul.f32 v36, v19;
	v31 =	vadd.f32 $8.838465690e+00, v31;
	v32 =	vadd.f32 $8.838465690e+00, v32  }
0xc7: {  	v33 =	vadd.f32 $8.838465690e+00, v33;
	v24 =	vmul.f32 v24, v10;
	v25 =	vmul.f32 v25, v11  }
0xc8: {  	v35 =	vadd.f32 $8.838465690e+00, v35;
	v26 =	vmul.f32 v26, v12;
	v27 =	vmul.f32 v27, v13  }
0xc9: {  	v37 =	vadd.f32 $8.838465690e+00, v37;
	v28 =	vmul.f32 v28, v14;
	v29 =	vmul.f32 v29, v15  }
0xca: {  	v38 =	vadd.f32 $8.838465690e+00, v38;
	v30 =	vmul.f32 v30, v16;
	v34 =	vadd.f32 $8.838465690e+00, v34  }
0xcb: {  	v39 =	vmul.f32 v39, v9;
	v36 =	vadd.f32 $8.838465690e+00, v36;
	v31 =	vmul.f32 v31, v17  }
0xcc: {  	v32 =	vmul.f32 v32, v18;
	v24 =	vadd.f32 $-9.683250420e+00, v24;
	v25 =	vadd.f32 $-9.683250420e+00, v25  }
0xcd: {  	v33 =	vmul.f32 v33, v21;
	v26 =	vadd.f32 $-9.683250420e+00, v26;
	v27 =	vadd.f32 $-9.683250420e+00, v27  }
0xce: {  	v35 =	vmul.f32 v35, v22;
	v28 =	vadd.f32 $-9.683250420e+00, v28;
	v29 =	vadd.f32 $-9.683250420e+00, v29  }
0xcf: {  	v37 =	vmul.f32 v37, v20;
	v30 =	vadd.f32 $-9.683250420e+00, v30;
	v38 =	vmul.f32 v38, v8  }
0xd0: {  	v39 =	vadd.f32 $8.838465690e+00, v39;
	v34 =	vmul.f32 v34, v23;
	v36 =	vmul.f32 v36, v19  }
0xd1: {  	v31 =	vadd.f32 $-9.683250420e+00, v31;
	v32 =	vadd.f32 $-9.683250420e+00, v32;
	v24 =	vmul.f32 v24, v10  }
0xd2: {  	v33 =	vadd.f32 $-9.683250420e+00, v33;
	v25 =	vmul.f32 v25, v11;
	v26 =	vmul.f32 v26, v12  }
0xd3: {  	v35 =	vadd.f32 $-9.683250420e+00, v35;
	v27 =	vmul.f32 v27, v13;
	v28 =	vmul.f32 v28, v14  }
0xd4: {  	v37 =	vadd.f32 $-9.683250420e+00, v37;
	v29 =	vmul.f32 v29, v15;
	v30 =	vmul.f32 v30, v16  }
0xd5: {  	v38 =	vadd.f32 $-9.683250420e+00, v38;
	v34 =	vadd.f32 $-9.683250420e+00, v34;
	v39 =	vmul.f32 v39, v9  }
0xd6: {  	v36 =	vadd.f32 $-9.683250420e+00, v36;
	v31 =	vmul.f32 v31, v17;
	v24 =	vadd.f32 $6.996455670e+00, v24  }
0xd7: {  	v32 =	vmul.f32 v32, v18;
	v25 =	vadd.f32 $6.996455670e+00, v25;
	v26 =	vadd.f32 $6.996455670e+00, v26  }
0xd8: {  	v33 =	vmul.f32 v33, v21;
	v27 =	vadd.f32 $6.996455670e+00, v27;
	v28 =	vadd.f32 $6.996455670e+00, v28  }
0xd9: {  	v35 =	vmul.f32 v35, v22;
	v29 =	vadd.f32 $6.996455670e+00, v29;
	v30 =	vadd.f32 $6.996455670e+00, v30  }
0xda: {  	v37 =	vmul.f32 v37, v20;
	v38 =	vmul.f32 v38, v8;
	v39 =	vadd.f32 $-9.683250420e+00, v39  }
0xdb: {  	v34 =	vmul.f32 v34, v23;
	v36 =	vmul.f32 v36, v19;
	v31 =	vadd.f32 $6.996455670e+00, v31  }
0xdc: {  	v32 =	vadd.f32 $6.996455670e+00, v32;
	v33 =	vadd.f32 $6.996455670e+00, v33;
	v24 =	vmul.f32 v24, v10  }
0xdd: {  	v35 =	vadd.f32 $6.996455670e+00, v35;
	v25 =	vmul.f32 v25, v11;
	v26 =	vmul.f32 v26, v12  }
0xde: {  	v37 =	vadd.f32 $6.996455670e+00, v37;
	v13 =	vmul.f32 v27, v13;
	v14 =	vmul.f32 v28, v14  }
0xdf: {  	v11 =	vadd.f32 $6.996455670e+00, v38;
	v27 =	vmul.f32 v29, v15;
	v61 =	vmul.f32 v30, v16  }
0xe0: {  	v34 =	vadd.f32 $6.996455670e+00, v34;
	v10 =	vmul.f32 v39, v9;
	v36 =	vadd.f32 $6.996455670e+00, v36  }
0xe1: {  	v62 =	vmul.f32 v31, v17;
	v18 =	vmul.f32 v32, v18;
	v15 =	vadd.f32 $-2.624818800e+00, v24  }
0xe2: {  	v63 =	vmul.f32 v33, v21;
	v12 =	vadd.f32 $-2.624818800e+00, v25;
	v16 =	vadd.f32 $-2.624818800e+00, v26  }
0xe3: {  	v17 =	vadd.f32 $-2.624818800e+00, v13;
	v25 =	vmul.f32 v35, v22;
	v13 =	vadd.f32 $-2.624818800e+00, v14  }
0xe4: {  	v14 =	vadd.f32 $-2.624818800e+00, v27;
	v10 =	vadd.f32 $6.996455670e+00, v10;
	v24 =	vmul.f32 v34, v23  }
0xe5: {  	v21 =	vadd.f32 $-2.624818800e+00, v62;
	v26 =	vmul.f32 v36, v19;
	v19 =	vadd.f32 $-2.624818800e+00, v61  }
0xe6: {  	s17 =	simm.s32 $0x100;
	s16 =	simm.s32 $0x0;
	v20 =	vmul.f32 v37, v20;
	v22 =	vadd.f32 $-2.624818800e+00, v18;
	v18 =	vadd.f32 $-2.624818800e+00, v63  }
.LBB2_4:
0xe7: {  	s18 =	sadd.s32 $0x2080, s17;
	v23 =	vadd.f32 $-2.624818800e+00, v24;
	v24 =	vadd.f32 $-2.624818800e+00, v25;
	v8 =	vmul.f32 v11, v8;
	s14 =	sadd.s32 $0x20, s14  }
0xe8: {  	v25 =	vadd.f32 $-2.624818800e+00, v26;
	vm0 =	vgt.f32 v9, $5.000000000e-01;
	s19 =	sand.u32 $0x70, s14;
	s18 =	sand.u32 $0x3C00, s18;
	v20 =	vadd.f32 $-2.624818800e+00, v20  }
0xe9: {  	v26 =	vnsel vm6, $0x0, v15;
	v9 =	vmul.f32 v10, v9;
	s18 =	sor.u32 s19, s18;
	v8 =	vadd.f32 $-2.624818800e+00, v8  }
0xea: {  	v27 =	vnsel vm2, $0x0, v12;
	v28 =	vnsel vm10, $0x0, v16;
	v17 =	vnsel vm11, $0x0, v17;
	v10 =	vld [tilespmem:s18+$0x0]  }
0xeb: {  	v15 =	vnsel vm13, $0x0, v21;
	v21 =	vnsel vm1, $0x0, v13;
	v29 =	vnsel vm14, $0x0, v14;
	v11 =	vld [tilespmem:s18+$0x80]  }
0xec: {  	v14 =	vnsel vm7, $0x0, v22;
	v16 =	vnsel vm4, $0x0, v18;
	v9 =	vadd.f32 $-2.624818800e+00, v9;
	v12 =	vld [tilespmem:s18+$0x100]  }
0xed: {  	v1 =	vadd.f32 v15, v1;
	v6 =	vadd.f32 v14, v6;
	v15 =	vnsel vm5, $0x0, v23;
	v13 =	vld [tilespmem:s18+$0x180]  }
0xee: {  	s19 =	sadd.s32 $0xFFFFFBF0, s14;
	v2 =	vadd.f32 v16, v2;
	v18 =	vnsel vm9, $0x0, v24;
	v3 =	vadd.f32 v15, v3;
	v14 =	vld [tilespmem:s18+$0x200]  }
0xef: {  	s20 =	sand.u32 $0x1C00, s17;
	v22 =	vnsel vm3, $0x0, v25;
	s19 =	sand.u32 $0x60, s19;
	v1 =	vadd.f32 v26, v1;
	v6 =	vadd.f32 v27, v6;
	v15 =	vld [tilespmem:s18+$0x280]  }
0xf0: {  	v20 =	vnsel vm15, $0x0, v20;
	s19 =	sor.u32 s19, s20;
	v2 =	vadd.f32 v28, v2;
	v3 =	vadd.f32 v17, v3;
	v16 =	vld [tilespmem:s18+$0x300]  }
0xf1: {  	v7 =	vadd.f32 v18, v7;
	v4 =	vadd.f32 v22, v4;
	v8 =	vnsel vm12, $0x0, v8;
	v17 =	vld [tilespmem:s19+$0x2000]  }
0xf2: {  	v5 =	vadd.f32 v20, v5;
	v0 =	vadd.f32 v8, v0;
	v8 =	vnsel vm8, $0x0, v19;
	v18 =	vld [tilespmem:s19+$0x2080]  }
0xf3: {  	v9 =	vnsel vm0, $0x0, v9;
	v7 =	vadd.f32 v21, v7;
	v4 =	vadd.f32 v29, v4;
	v19 =	vld [tilespmem:s19+$0x2100]  }
0xf4: {  	v5 =	vadd.f32 v8, v5;
	v0 =	vadd.f32 v9, v0;
	v21 =	vld [tilespmem:s19+$0x2180]  }
0xf5: {  	vm6 =	vgt.f32 v10, $5.000000000e-01;
	vm2 =	vgt.f32 v11, $5.000000000e-01;
	v22 =	vld [tilespmem:s19+$0x2200]  }
0xf6: {  	vm10 =	vgt.f32 v12, $5.000000000e-01;
	vm11 =	vgt.f32 v13, $5.000000000e-01;
	vm1 =	vgt.f32 v14, $5.000000000e-01;
	v20 =	vld [tilespmem:s19+$0x2280]  }
0xf7: {  	s15 =	sadd.s32 $0x2, s15;
	vm14 =	vgt.f32 v15, $5.000000000e-01;
	vm8 =	vgt.f32 v16, $5.000000000e-01;
	vm13 =	vgt.f32 v17, $5.000000000e-01;
	v23 =	vld [tilespmem:s19+$0x2300]  }
0xf8: {  	v24 =	vmul.f32 $9.632840150e-01, v10;
	s18 =	sand.u32 $0x7, s15;
	vm7 =	vgt.f32 v18, $5.000000000e-01;
	vm4 =	vgt.f32 v19, $5.000000000e-01;
	v8 =	vld [tilespmem:s19+$0x2380]  }
0xf9: {  	v25 =	vmul.f32 $9.632840150e-01, v11;
	s18 =	sshll.u32 s18, $0x4;
	v26 =	vmul.f32 $9.632840150e-01, v12;
	vm5 =	vgt.f32 v21, $5.000000000e-01  }
0xfa: {  	s18 =	sadd.s32 s17, s18;
	v27 =	vmul.f32 $9.632840150e-01, v13;
	v28 =	vmul.f32 $9.632840150e-01, v14;
	vm9 =	vgt.f32 v22, $5.000000000e-01  }
0xfb: {  	s18 =	sadd.s32 $0x2090, s18;
	v29 =	vmul.f32 $9.632840150e-01, v15;
	v30 =	vmul.f32 $9.632840150e-01, v16;
	vm3 =	vgt.f32 v20, $5.000000000e-01  }
0xfc: {  	s18 =	sor.u32 $0x300, s18;
	v31 =	vmul.f32 $9.632840150e-01, v17;
	v32 =	vmul.f32 $9.632840150e-01, v18;
	vm15 =	vgt.f32 v23, $5.000000000e-01  }
0xfd: {  	v33 =	vmul.f32 $9.632840150e-01, v19;
	v34 =	vmul.f32 $9.632840150e-01, v21;
	vm12 =	vgt.f32 v8, $5.000000000e-01;
	v9 =	vld [tilespmem:s18+$0x0]  }
0xfe: {  	v24 =	vadd.f32 $-4.490120410e+00, v24;
	v25 =	vadd.f32 $-4.490120410e+00, v25;
	v35 =	vmul.f32 $9.632840150e-01, v22  }
0xff: {  	v26 =	vadd.f32 $-4.490120410e+00, v26;
	v27 =	vadd.f32 $-4.490120410e+00, v27;
	v36 =	vmul.f32 $9.632840150e-01, v20  }
0x100: {  	v28 =	vadd.f32 $-4.490120410e+00, v28;
	v29 =	vadd.f32 $-4.490120410e+00, v29;
	v37 =	vmul.f32 $9.632840150e-01, v23  }
0x101: {  	v30 =	vadd.f32 $-4.490120410e+00, v30;
	v31 =	vadd.f32 $-4.490120410e+00, v31;
	v38 =	vmul.f32 $9.632840150e-01, v8  }
0x102: {  	v32 =	vadd.f32 $-4.490120410e+00, v32;
	v33 =	vadd.f32 $-4.490120410e+00, v33;
	v39 =	vmul.f32 $9.632840150e-01, v9  }
0x103: {  	v24 =	vmul.f32 v24, v10;
	v25 =	vmul.f32 v25, v11;
	v34 =	vadd.f32 $-4.490120410e+00, v34  }
0x104: {  	v26 =	vmul.f32 v26, v12;
	v27 =	vmul.f32 v27, v13;
	v35 =	vadd.f32 $-4.490120410e+00, v35  }
0x105: {  	v28 =	vmul.f32 v28, v14;
	v29 =	vmul.f32 v29, v15;
	v36 =	vadd.f32 $-4.490120410e+00, v36  }
0x106: {  	v30 =	vmul.f32 v30, v16;
	v31 =	vmul.f32 v31, v17;
	v37 =	vadd.f32 $-4.490120410e+00, v37  }
0x107: {  	v32 =	vmul.f32 v32, v18;
	v33 =	vmul.f32 v33, v19;
	v38 =	vadd.f32 $-4.490120410e+00, v38  }
0x108: {  	v24 =	vadd.f32 $8.838465690e+00, v24;
	v34 =	vmul.f32 v34, v21;
	v39 =	vadd.f32 $-4.490120410e+00, v39  }
0x109: {  	v25 =	vadd.f32 $8.838465690e+00, v25;
	v26 =	vadd.f32 $8.838465690e+00, v26;
	v35 =	vmul.f32 v35, v22  }
0x10a: {  	v27 =	vadd.f32 $8.838465690e+00, v27;
	v28 =	vadd.f32 $8.838465690e+00, v28;
	v36 =	vmul.f32 v36, v20  }
0x10b: {  	v29 =	vadd.f32 $8.838465690e+00, v29;
	v30 =	vadd.f32 $8.838465690e+00, v30;
	v37 =	vmul.f32 v37, v23  }
0x10c: {  	v31 =	vadd.f32 $8.838465690e+00, v31;
	v32 =	vadd.f32 $8.838465690e+00, v32;
	v38 =	vmul.f32 v38, v8  }
0x10d: {  	v33 =	vadd.f32 $8.838465690e+00, v33;
	v34 =	vadd.f32 $8.838465690e+00, v34;
	v39 =	vmul.f32 v39, v9  }
0x10e: {  	v24 =	vmul.f32 v24, v10;
	v25 =	vmul.f32 v25, v11;
	v35 =	vadd.f32 $8.838465690e+00, v35  }
0x10f: {  	v26 =	vmul.f32 v26, v12;
	v27 =	vmul.f32 v27, v13;
	v36 =	vadd.f32 $8.838465690e+00, v36  }
0x110: {  	v28 =	vmul.f32 v28, v14;
	v29 =	vmul.f32 v29, v15;
	v37 =	vadd.f32 $8.838465690e+00, v37  }
0x111: {  	v30 =	vmul.f32 v30, v16;
	v31 =	vmul.f32 v31, v17;
	v38 =	vadd.f32 $8.838465690e+00, v38  }
0x112: {  	v32 =	vmul.f32 v32, v18;
	v33 =	vmul.f32 v33, v19;
	v39 =	vadd.f32 $8.838465690e+00, v39  }
0x113: {  	v24 =	vadd.f32 $-9.683250420e+00, v24;
	v25 =	vadd.f32 $-9.683250420e+00, v25;
	v34 =	vmul.f32 v34, v21  }
0x114: {  	v26 =	vadd.f32 $-9.683250420e+00, v26;
	v27 =	vadd.f32 $-9.683250420e+00, v27;
	v35 =	vmul.f32 v35, v22  }
0x115: {  	v28 =	vadd.f32 $-9.683250420e+00, v28;
	v29 =	vadd.f32 $-9.683250420e+00, v29;
	v36 =	vmul.f32 v36, v20  }
0x116: {  	v30 =	vadd.f32 $-9.683250420e+00, v30;
	v31 =	vadd.f32 $-9.683250420e+00, v31;
	v37 =	vmul.f32 v37, v23  }
0x117: {  	v32 =	vadd.f32 $-9.683250420e+00, v32;
	v33 =	vadd.f32 $-9.683250420e+00, v33;
	v38 =	vmul.f32 v38, v8  }
0x118: {  	v24 =	vmul.f32 v24, v10;
	v34 =	vadd.f32 $-9.683250420e+00, v34;
	v39 =	vmul.f32 v39, v9  }
0x119: {  	v25 =	vmul.f32 v25, v11;
	v26 =	vmul.f32 v26, v12;
	v35 =	vadd.f32 $-9.683250420e+00, v35  }
0x11a: {  	v27 =	vmul.f32 v27, v13;
	v28 =	vmul.f32 v28, v14;
	v36 =	vadd.f32 $-9.683250420e+00, v36  }
0x11b: {  	s16 =	sadd.s32 $0x2, s16;
	v29 =	vmul.f32 v29, v15;
	v30 =	vmul.f32 v30, v16;
	v37 =	vadd.f32 $-9.683250420e+00, v37  }
0x11c: {  	p1 =	slt.u32 s16, $0x3E;
	v31 =	vmul.f32 v31, v17;
	v32 =	vmul.f32 v32, v18;
	v38 =	vadd.f32 $-9.683250420e+00, v38  }
0x11d: {  	v24 =	vadd.f32 $6.996455670e+00, v24;
	v33 =	vmul.f32 v33, v19;
	v39 =	vadd.f32 $-9.683250420e+00, v39  }
0x11e: {  	v25 =	vadd.f32 $6.996455670e+00, v25;
	v26 =	vadd.f32 $6.996455670e+00, v26;
	v34 =	vmul.f32 v34, v21  }
0x11f: {  	v27 =	vadd.f32 $6.996455670e+00, v27;
	v28 =	vadd.f32 $6.996455670e+00, v28;
	v35 =	vmul.f32 v35, v22  }
0x120: {  	v29 =	vadd.f32 $6.996455670e+00, v29;
	v30 =	vadd.f32 $6.996455670e+00, v30;
	v36 =	vmul.f32 v36, v20  }
0x121: {  	v31 =	vadd.f32 $6.996455670e+00, v31;
	v32 =	vadd.f32 $6.996455670e+00, v32;
	v37 =	vmul.f32 v37, v23  }
0x122: {  	v33 =	vadd.f32 $6.996455670e+00, v33;
	v34 =	vadd.f32 $6.996455670e+00, v34;
	v38 =	vmul.f32 v38, v8  }
0x123: {  	v24 =	vmul.f32 v24, v10;
	v35 =	vadd.f32 $6.996455670e+00, v35;
	v10 =	vmul.f32 v39, v9  }
0x124: {  	v25 =	vmul.f32 v25, v11;
	v26 =	vmul.f32 v26, v12;
	v36 =	vadd.f32 $6.996455670e+00, v36  }
0x125: {  	v13 =	vmul.f32 v27, v13;
	v14 =	vmul.f32 v28, v14;
	v37 =	vadd.f32 $6.996455670e+00, v37  }
0x126: {  	v27 =	vmul.f32 v29, v15;
	v28 =	vmul.f32 v30, v16;
	v11 =	vadd.f32 $6.996455670e+00, v38  }
0x127: {  	v29 =	vmul.f32 v31, v17;
	v18 =	vmul.f32 v32, v18;
	v10 =	vadd.f32 $6.996455670e+00, v10  }
.Ltmp1:
0x128: {  	v12 =	vadd.f32 $-2.624818800e+00, v25;
	v15 =	vadd.f32 $-2.624818800e+00, v24;
	v30 =	vmul.f32 v33, v19;
	(pc) =	sbr.rel @p1 .LBB2_4-.Ltmp1, $4  }
0x129: {  	v16 =	vadd.f32 $-2.624818800e+00, v26;
	v17 =	vadd.f32 $-2.624818800e+00, v13;
	v24 =	vmul.f32 v34, v21  }
0x12a: {  	v13 =	vadd.f32 $-2.624818800e+00, v14;
	v14 =	vadd.f32 $-2.624818800e+00, v27;
	v25 =	vmul.f32 v35, v22  }
0x12b: {  	v19 =	vadd.f32 $-2.624818800e+00, v28;
	v21 =	vadd.f32 $-2.624818800e+00, v29;
	v26 =	vmul.f32 v36, v20  }
0x12c: {  	s17 =	sadd.s32 $0x100, s17;
	v22 =	vadd.f32 $-2.624818800e+00, v18;
	v18 =	vadd.f32 $-2.624818800e+00, v30;
	v20 =	vmul.f32 v37, v23  }
0x12d: {  	v15 =	vnsel vm6, $0x0, v15;
	v12 =	vnsel vm2, $0x0, v12  }
0x12e: {  	v16 =	vnsel vm10, $0x0, v16;
	v17 =	vnsel vm11, $0x0, v17;
	v21 =	vnsel vm13, $0x0, v21  }
0x12f: {  	v13 =	vnsel vm1, $0x0, v13;
	v14 =	vnsel vm14, $0x0, v14;
	v23 =	vadd.f32 $-2.624818800e+00, v24  }
0x130: {  	v40 =	vadd.f32 $-2.624818800e+00, v25;
	v8 =	vmul.f32 v11, v8;
	v41 =	vadd.f32 $-2.624818800e+00, v26  }
0x131: {  	v10 =	vmul.f32 v10, v9;
	v46 =	vnsel vm8, $0x0, v19;
	v20 =	vadd.f32 $-2.624818800e+00, v20  }
0x132: {  	v22 =	vnsel vm7, $0x0, v22;
	v1 =	vadd.f32 v21, v1;
	v8 =	vadd.f32 $-2.624818800e+00, v8  }
0x133: {  	v18 =	vnsel vm4, $0x0, v18;
	v10 =	vadd.f32 $-2.624818800e+00, v10;
	v6 =	vadd.f32 v22, v6  }
0x134: {  	v42 =	vnsel vm5, $0x0, v23;
	v2 =	vadd.f32 v18, v2;
	v1 =	vadd.f32 v15, v1  }
0x135: {  	v43 =	vnsel vm9, $0x0, v40;
	v3 =	vadd.f32 v42, v3;
	v6 =	vadd.f32 v12, v6  }
0x136: {  	v11 =	vnsel vm3, $0x0, v41;
	v7 =	vadd.f32 v43, v7;
	v2 =	vadd.f32 v16, v2;
	(xrf2) =	vadd.scan.msk.f32 $0xffff, v1  }
0x137: {  	v44 =	vnsel vm15, $0x0, v20;
	v4 =	vadd.f32 v11, v4;
	v3 =	vadd.f32 v17, v3;
	(xrf2) =	vadd.scan.msk.f32 $0xffff, v6  }
0x138: {  	v45 =	vnsel vm12, $0x0, v8;
	v5 =	vadd.f32 v44, v5;
	v7 =	vadd.f32 v13, v7;
	(xrf2) =	vadd.scan.msk.f32 $0xffff, v2  }
0x139: {  	vm0 =	vgt.f32 v9, $5.000000000e-01;
	v0 =	vadd.f32 v45, v0;
	v47 =	vadd.f32 v14, v4;
	(xrf2) =	vadd.scan.msk.f32 $0xffff, v3  }
0x13a: {  	v48 =	vnsel vm0, $0x0, v10;
	v49 =	vadd.f32 v46, v5;
	(xrf2) =	vadd.scan.msk.f32 $0xffff, v7  }
0x13b: {  	v0 =	vadd.f32 v48, v0;
	(xrf2) =	vadd.scan.msk.f32 $0xffff, v47  }
0x13c: {  	(xrf2) =	vadd.scan.msk.f32 $0xffff, v49  }
0x13d: {  	v54 =	vld [tilespmem:$0x1FFF0];
	(xrf2) =	vadd.scan.msk.f32 $0xffff, v0;
	_ =	sdelay $0x2  }
0x13e: {  	v50, _, _ =	vpop (xrf2)  }
0x13f: {  	v51, _, _ =	vpop (xrf2);
	v0 =	vbroadcast v50, $0xF  }
0x140: {  	vm8 =	vnez.u8 v54;
	v52, _, _ =	vpop (xrf2);
	v1 =	vbroadcast v51, $0xF  }
0x141: {  	vm9 =	vcmask $0x320;
	v53, _, _ =	vpop (xrf2);
	v0 =	vnsel vm8, $0x0, v0;
	v2 =	vbroadcast v52, $0xF  }
0x142: {  	vm10 =	vcmask $0x720;
	v55, _, _ =	vpop (xrf2);
	v0 =	vsel vm9, v0, v1;
	v56 =	vbroadcast v53, $0xF  }
0x143: {  	vm11 =	vcmask $0xB20;
	v57, _, _ =	vpop (xrf2);
	v0 =	vsel vm10, v0, v2;
	v58 =	vbroadcast v55, $0xF  }
0x144: {  	vm12 =	vcmask $0xF20;
	v59, _, _ =	vpop (xrf2);
	v0 =	vsel vm11, v0, v56;
	v60 =	vbroadcast v57, $0xF  }
0x145: {  	vm13 =	vcmask $0x1320;
	v0 =	vsel vm12, v0, v58;
	v61 =	vbroadcast v59, $0xF;
	v62, _, _ =	vpop (xrf2)  }
0x146: {  	vm14 =	vcmask $0x1720;
	v0 =	vsel vm13, v0, v60;
	v63 =	vbroadcast v62, $0xF  }
0x147: {  	vm15 =	vcmask $0x1B20;
	v0 =	vsel vm14, v0, v61  }
0x148: {  	v0 =	vsel vm15, v0, v63  }
0x149: {  	[tilespmem:$0x4000] =	vst v0  }
0x14a: {  	[spmem:s5] =	stream.linear.scatter [tilespmem:s11], [sflag:$0x3], $0x80, $0x38;
	[tilespmem:$0x42A0] =	vst v63  }
0x14b: {  	_ =	swait.ge [sflag:s12], $0x80  }
0x14c: {  	[sflag:s12] =	ssyncset.done $0x0  }
0x14d: {  	[sflag:s12] =	ssyncadd.s32 $0xFFFFFF80  }
0x14e: {  	s14 =	simm.s32 @!p0 $0x4080;
	[bflag:$0x0] =	sbarrier.arrive $0xFFFF  }
0x14f: {  	[tilespmem:s14], [sflag:$0x3] =	stream.linear.gather @!p0 [spmem:s5], $0x200, $0x38;
	[tilespmem:$0x42A0] =	vst v63  }
0x150: {  	s14 =	simm.s32 @!p0 $0x3  }
0x151: {  	_ =	swait.ge @!p0 [sflag:s14], $0x200  }
0x152: {  	[sflag:s14] =	ssyncset.done @!p0 $0x0  }
0x153: {  	[sflag:s14] =	ssyncadd.s32 @!p0 $0xFFFFFE00  }
0x154: {  	v0 =	vld @!p0 [tilespmem:$0x4080]  }
0x155: {  	v1 =	vld @!p0 [tilespmem:$0x4100]  }
0x156: {  	v2 =	vld @!p0 [tilespmem:$0x4180]  }
0x157: {  	v3 =	vld @!p0 [tilespmem:$0x4200];
	_ =	sdelay $0x4  }
0x158: {  	v0 =	vadd.f32 @!p0 v1, v0;
	v1 =	vadd.f32 @!p0 v3, v2;
	_ =	sdelay $0x1  }
0x159: {  	s13 =	sadd.s32 $0x1, s13;
	v0 =	vadd.f32 @!p0 v1, v0  }
0x15a: {  	p1 =	sne.s32 s13, s7  }
.Ltmp2:
0x15b: {  	s15 =	simm.s32 @!p0 $0x0;
	s16 =	simm.s32 @!p0 $0x4000;
	[tilespmem:$0x4000] =	vst @!p0 v0;
	(pc) =	sbr.rel @p1 .LBB2_1-.Ltmp2, $4  }
0x15c: {  	[hbm4b:s6+s15] =	stream.linear.scatter @!p0 [tilespmem:s16], [sflag:$0x3], $0x8, $0x38;
	[tilespmem:$0x42A0] =	vst v63  }
0x15d: {  	_ =	swait.ge @!p0 [sflag:s14], $0x8  }
0x15e: {  	[sflag:s14] =	ssyncset.done @!p0 $0x0  }
0x15f: {  	[sflag:s14] =	ssyncadd.s32 @!p0 $0xFFFFFFF8  }
0x160: {  	_ =	sfence.sel $0x180000  }
0x161: {  	[bflag:$0x0] =	sbarrier.arrive $0xFFFF  }
0x162: {  	p0 =	sne.s32 s1, $0x0;
	_ =	strace $0x90000047  }
0x163: {  	s0 =	sadd.s32 @!p0 $0x100000, s0;
	[bflag:$0x2] =	sbarrier.arrive $0xFFFF  }
0x164: {  	[sflag:s0] =	ssyncadd.tile.s32 @!p0 $0x1;
	_ =	shalt  }
.Lfunc_end2:
_tile_overlayer_lowered:
.L_overlay_start_2:
0x165: {  	(tag) =	ssettag $0x2  }
0x166: {  	s0 =	rddreg [dreg:$0x0];
	s2 =	stileid.u32  }
0x167: {  	s1 =	rddreg [dreg:$0x1];
	p0 =	sne.s32 s2, $0x0  }
0x168: {  	s3 =	rddreg [dreg:$0x2];
	[bflag:$0x3] =	sbarrier.arrive $0xFFFF;
	s2 =	simm.s32 @!p0 $0x1C03  }
0x169: {  	[timem:s3], [sflag:s2] =	dma.local @!p0 [hbm:s0], s1  }
0x16a: {  	s0 =	simm.s32 @!p0 $0x3  }
0x16b: {  	_ =	swait.ge @!p0 [sflag:s0], s1  }
0x16c: {  	s1 =	ssub.s32 @!p0 $0x0, s1;
	[sflag:s0] =	ssyncset.done @!p0 $0x0  }
0x16d: {  	[sflag:s0] =	ssyncadd.s32 @!p0 s1  }
0x16e: {  	[bflag:$0x3] =	sbarrier.arrive $0xFFFF  }
0x16f: {  	_ =	shalt  }

</sc_bundles>
